<compile_context>
chip_gen: v7x
topology: tpu7x:2x2x1
jax: 0.10.2.dev20260603
libtpu: 0.0.44.dev20260713+nightly
codegen_flags: <defaults>
</compile_context>

<pallas_src>
import functools

import jax
import jax.numpy as jnp
from jax import lax
from jax.experimental import pallas as pl
from jax.experimental.pallas import tpu as pltpu
from jax.experimental.pallas import tpu_sc as plsc

L = 16


@functools.cache
def _make_kernel(nnz, nbins, NW):
    CH = -(-nnz // (NW * L)) * L
    NP = NW * CH
    BW = nnz // CH
    TAIL = nnz - BW * CH
    BP = -(-(nbins + 1) // L) * L
    NV = CH // L
    BV = BP // L
    mesh = plsc.VectorSubcoreMesh(core_axis_name="c", subcore_axis_name="s")

    @functools.partial(
        pl.kernel,
        out_type=[
            jax.ShapeDtypeStruct((nnz,), jnp.int32),
            jax.ShapeDtypeStruct((nnz,), jnp.int32),
            jax.ShapeDtypeStruct((nbins + 1,), jnp.int32),
        ],
        mesh=mesh,
        scratch_types=[
            pltpu.VMEM((CH,), jnp.int32),
            pltpu.VMEM((CH,), jnp.int32),
            pltpu.VMEM((CH,), jnp.int32),
            pltpu.VMEM((CH,), jnp.int32),
            pltpu.VMEM((CH,), jnp.int32),
            pltpu.VMEM((BP,), jnp.int32),
            pltpu.VMEM((BP,), jnp.int32),
            pltpu.VMEM((BP,), jnp.int32),
            pltpu.VMEM((NW * BP,), jnp.int32),
            pltpu.VMEM_SHARED((NW * BP,), jnp.int32),
            pltpu.VMEM_SHARED((NP,), jnp.int32),
            pltpu.VMEM_SHARED((NP,), jnp.int32),
            pltpu.SemaphoreType.DMA,
            pltpu.SemaphoreType.DMA,
        ],
        compiler_params=pltpu.CompilerParams(needs_layout_passes=False),
    )
    def tkernel(c_hbm, r_hbm, colt_hbm, boff_hbm, offs_hbm,
                c_v, r_v, lr_v, rank_v, gi_v, cnt_v,
                start_v, offs_v, hist_l, hist_sh, colt_sh, boff_sh,
                sem0, sem1):
        cid = lax.axis_index("c")
        wid = lax.axis_index("s")

        @pl.when(cid == 0)
        def _():
            iota = lax.iota(jnp.int32, L)
            zeros = jnp.zeros((L,), jnp.int32)
            sent = jnp.full((L,), nbins, jnp.int32)
            base = wid * CH
            with jax.named_scope("ph_load"):
                @pl.when(wid < BW)
                def _():
                    cp0 = pltpu.async_copy(c_hbm.at[pl.ds(base, CH)], c_v, sem0)
                    cp1 = pltpu.async_copy(r_hbm.at[pl.ds(base, CH)], r_v, sem1)
                    cp0.wait()
                    cp1.wait()

                @pl.when(wid == BW)
                def _():
                    for v in range(TAIL // L, NV):
                        c_v[pl.ds(v * L, L)] = sent
                    cp0 = pltpu.async_copy(
                        c_hbm.at[pl.ds(base, TAIL)], c_v.at[pl.ds(0, TAIL)],
                        sem0)
                    cp1 = pltpu.async_copy(
                        r_hbm.at[pl.ds(base, TAIL)], r_v.at[pl.ds(0, TAIL)],
                        sem1)
                    cp0.wait()
                    cp1.wait()

                @pl.when((wid > BW) & (wid < NW))
                def _():
                    for v in range(NV):
                        c_v[pl.ds(v * L, L)] = sent

            with jax.named_scope("ph_a"):
                @pl.when(wid < NW)
                def _():
                    for bv in range(BV):
                        cnt_v[pl.ds(bv * L, L)] = zeros
                    for v in range(NV):
                        sl = pl.ds(v * L, L)
                        c = c_v[sl]
                        dup, last = plsc.scan_count(c)
                        lr = plsc.load_gather(cnt_v, [c]) + dup - 1
                        lr_v[sl] = lr
                        plsc.store_scatter(cnt_v, [c], lr + 1, mask=last)
                    pltpu.sync_copy(cnt_v, hist_sh.at[pl.ds(wid * BP, BP)])

            with jax.named_scope("ph_xchg"):
                plsc.subcore_barrier()

                @pl.when(wid < NW)
                def _():
                    pltpu.sync_copy(hist_sh, hist_l)

            with jax.named_scope("ph_b"):
                @pl.when(wid < NW)
                def _():
                    def acc(w, carry, *, _n=2 * BV):
                        m = jnp.where(w < wid, 1, 0)
                        out = []
                        for bv in range(BV):
                            h = hist_l[pl.ds(w * BP + bv * L, L)]
                            out.append(carry[bv] + h)
                            out.append(carry[BV + bv] + h * m)
                        return tuple(out[::2]) + tuple(out[1::2])

                    res = lax.fori_loop(0, NW, acc, (zeros,) * (2 * BV))
                    tot = res[:BV]
                    pref = res[BV:]
                    carry = jnp.int32(0)
                    for bv in range(BV):
                        sl = pl.ds(bv * L, L)
                        t = tot[bv]
                        excl = plsc.cumsum(t) - t + carry
                        offs_v[sl] = excl
                        start_v[sl] = excl + pref[bv]
                        carry = carry + jnp.sum(t)

                    @pl.when(wid == 0)
                    def _():
                        pltpu.sync_copy(offs_v.at[pl.ds(0, nbins + 1)],
                                        offs_hbm)

            with jax.named_scope("ph_c"):
                @pl.when(wid < NW)
                def _():
                    for v in range(NV):
                        sl = pl.ds(v * L, L)
                        rank_v[sl] = (plsc.load_gather(start_v, [c_v[sl]])
                                      + lr_v[sl])
                        gi_v[sl] = base + v * L + iota
                    cp0 = pltpu.async_copy(r_v, colt_sh.at[rank_v], sem0)
                    cp1 = pltpu.async_copy(gi_v, boff_sh.at[rank_v], sem1)
                    cp0.wait()
                    cp1.wait()
                plsc.subcore_barrier()

                @pl.when(wid < BW)
                def _():
                    cp0 = pltpu.async_copy(colt_sh.at[pl.ds(base, CH)], r_v,
                                           sem0)
                    cp1 = pltpu.async_copy(boff_sh.at[pl.ds(base, CH)], gi_v,
                                           sem1)
                    cp0.wait()
                    cp1.wait()
                    cp2 = pltpu.async_copy(r_v, colt_hbm.at[pl.ds(base, CH)],
                                           sem0)
                    cp3 = pltpu.async_copy(gi_v, boff_hbm.at[pl.ds(base, CH)],
                                           sem1)
                    cp2.wait()
                    cp3.wait()

                @pl.when(wid == BW)
                def _():
                    cp0 = pltpu.async_copy(
                        colt_sh.at[pl.ds(base, TAIL)], r_v.at[pl.ds(0, TAIL)],
                        sem0)
                    cp1 = pltpu.async_copy(
                        boff_sh.at[pl.ds(base, TAIL)], gi_v.at[pl.ds(0, TAIL)],
                        sem1)
                    cp0.wait()
                    cp1.wait()
                    cp2 = pltpu.async_copy(
                        r_v.at[pl.ds(0, TAIL)], colt_hbm.at[pl.ds(base, TAIL)],
                        sem0)
                    cp3 = pltpu.async_copy(
                        gi_v.at[pl.ds(0, TAIL)], boff_hbm.at[pl.ds(base, TAIL)],
                        sem1)
                    cp2.wait()
                    cp3.wait()

    return tkernel


def kernel(size, data, row_indices, column_indices, offsets):
    nnz = column_indices.shape[0]
    nbins = offsets.shape[0] - 1
    ci = column_indices.astype(jnp.int32)
    ri = row_indices.astype(jnp.int32)
    del size, data
    colt, boff, offs = _make_kernel(nnz, nbins, 8)(ci, ri)
    return colt, offs, boff

# --- scband reference (transcript-rebuilt; emitter-appended) ---
"""Pipeline reference for scband-matrix-13383118094519 (READ-ONLY COPY).

The authoritative reference and input builder live on the scoring server;
editing this copy changes nothing except your own understanding.
"""

import jax, jax.numpy as jnp
import numpy as np

NNZ = 1638
BLOCK = 128
N = 16384

def setup_inputs(seed: int = 0) -> dict:
    key = jax.random.key(seed)
    k1, k2, k3, k4 = jax.random.split(key, 4)
    data = jax.random.normal(k1, (NNZ, BLOCK, BLOCK), dtype=jnp.float16)
    row_indices = jnp.sort(jax.random.randint(k2, (NNZ,), 0, N // BLOCK)).astype(jnp.int32)
    column_indices = jax.random.randint(k3, (NNZ,), 0, N // BLOCK).astype(jnp.int32)
    offsets = jnp.sort(jax.random.randint(k4, (N // BLOCK + 1,), 0, NNZ)).astype(jnp.int32)
    return {
        'size': (N, N),
        'data': data,
        'row_indices': row_indices,
        'column_indices': column_indices,
        'offsets': offsets,
    }

def reference(size, data, row_indices, column_indices, offsets):
    # Faithful jax translation of _transpose() executed in Matrix.__init__
    block_columns = offsets.shape[0] - 1
    gather_indices = jnp.argsort(column_indices)
    column_indices_t = jnp.take(row_indices, gather_indices, axis=0)
    block_offsets_t = gather_indices.astype(jnp.int32)
    # histc(block_columns, 0, block_columns) on integer-valued floats == bincount
    nnz_per_column = jnp.bincount(column_indices, length=block_columns).astype(jnp.int32)
    zero = jnp.zeros((1,), dtype=jnp.int32) + jnp.asarray(
        size[1] // data.shape[1] - block_columns, dtype=jnp.int32)
    offsets_t = jnp.concatenate([zero, jnp.cumsum(nnz_per_column).astype(jnp.int32)])
    return (column_indices_t, offsets_t, block_offsets_t)

if __name__ == "__main__":
    import jax
    _d = setup_inputs()
    print(jax.jit(kernel)(*tuple(_d.values())))

</pallas_src>

<mosaic_0001>
#map = affine_map<(d0, d1) -> (0)>
module attributes {stable_mosaic.version = 14 : i64} {
  func.func @tkernel(%arg0: i32, %arg1: i32, %arg2: memref<1638xi32, #tpu.memory_space<hbm>>, %arg3: memref<1638xi32, #tpu.memory_space<hbm>>, %arg4: memref<1638xi32, #tpu.memory_space<hbm>>, %arg5: memref<1638xi32, #tpu.memory_space<hbm>>, %arg6: memref<129xi32, #tpu.memory_space<hbm>>, %arg7: memref<208xi32, #tpu.memory_space<vmem>>, %arg8: memref<208xi32, #tpu.memory_space<vmem>>, %arg9: memref<208xi32, #tpu.memory_space<vmem>>, %arg10: memref<208xi32, #tpu.memory_space<vmem>>, %arg11: memref<208xi32, #tpu.memory_space<vmem>>, %arg12: memref<144xi32, #tpu.memory_space<vmem>>, %arg13: memref<144xi32, #tpu.memory_space<vmem>>, %arg14: memref<144xi32, #tpu.memory_space<vmem>>, %arg15: memref<1152xi32, #tpu.memory_space<vmem>>, %arg16: memref<1152xi32, #tpu.memory_space<vmem_shared>>, %arg17: memref<1664xi32, #tpu.memory_space<vmem_shared>>, %arg18: memref<1664xi32, #tpu.memory_space<vmem_shared>>, %arg19: memref<!tpu.dma_semaphore, #tpu.memory_space<semaphore_mem>>, %arg20: memref<!tpu.dma_semaphore, #tpu.memory_space<semaphore_mem>>) attributes {dimension_semantics = [#tpu.dimension_semantics<core_parallel>, #tpu.dimension_semantics<subcore_parallel>], iteration_bounds = array<i64: 2, 16>, scalar_prefetch = 0 : i64, scratch_operands = 14 : i64, tpu.core_type = #tpu.core_type<sc_vector_subcore>, window_params = [{transform_indices = #map}, {transform_indices = #map}, {transform_indices = #map}, {transform_indices = #map}, {transform_indices = #map}]} {
    %eq3A = arith.constant 0 : i32
    %eq3A_0 = arith.cmpi eq, %arg0, %eq3A : i32
    %convert_element_type3A = arith.extui %eq3A_0 : i1 to i32
    %cond3A = arith.constant 0 : i32
    %cond3A_1 = arith.cmpi ne, %convert_element_type3A, %cond3A : i32
    scf.if %cond3A_1 {
      %iota3A = tpu.iota {dimensions = array<i32: 0>} : vector<16xi32>
      %broadcast_in_dim3A = arith.constant 0 : i32
      %broadcast_in_dim3A_2 = vector.broadcast %broadcast_in_dim3A : i32 to vector<16xi32>
      %broadcast_in_dim3A_3 = arith.constant 128 : i32
      %broadcast_in_dim3A_4 = vector.broadcast %broadcast_in_dim3A_3 : i32 to vector<16xi32>
      %mul3A = arith.constant 208 : i32
      %mul3A_5 = arith.muli %arg1, %mul3A : i32
      %lt3A = arith.constant 7 : i32
      "tpu.trace_start"() <{level = 10 : i32, message = "ph_load"}> : () -> ()
      %lt3A_6 = arith.cmpi slt, %arg1, %lt3A : i32
      %convert_element_type3A_7 = arith.extui %lt3A_6 : i1 to i32
      %cond3A_8 = arith.constant 0 : i32
      %cond3A_9 = arith.cmpi ne, %convert_element_type3A_7, %cond3A_8 : i32
      scf.if %cond3A_9 {
        %dma_start3A = tpu.memref_slice %arg2[%mul3A_5] : memref<1638xi32, #tpu.memory_space<hbm>> -> memref<208xi32, #tpu.memory_space<hbm>>
        %dma_start3A_52 = tpu.memref_slice %arg2[%mul3A_5] : memref<1638xi32, #tpu.memory_space<hbm>> -> memref<208xi32, #tpu.memory_space<hbm>>
        tpu.enqueue_dma source(%dma_start3A_52 : memref<208xi32, #tpu.memory_space<hbm>>) target(%arg7 : memref<208xi32, #tpu.memory_space<vmem>>) target_semaphore(%arg19 : memref<!tpu.dma_semaphore, #tpu.memory_space<semaphore_mem>>)
        %dma_start3A_53 = tpu.memref_slice %arg3[%mul3A_5] : memref<1638xi32, #tpu.memory_space<hbm>> -> memref<208xi32, #tpu.memory_space<hbm>>
        %dma_start3A_54 = tpu.memref_slice %arg3[%mul3A_5] : memref<1638xi32, #tpu.memory_space<hbm>> -> memref<208xi32, #tpu.memory_space<hbm>>
        tpu.enqueue_dma source(%dma_start3A_54 : memref<208xi32, #tpu.memory_space<hbm>>) target(%arg8 : memref<208xi32, #tpu.memory_space<vmem>>) target_semaphore(%arg20 : memref<!tpu.dma_semaphore, #tpu.memory_space<semaphore_mem>>)
        %dma_wait3A = tpu.memref_slice %arg2[%mul3A_5] : memref<1638xi32, #tpu.memory_space<hbm>> -> memref<208xi32, #tpu.memory_space<hbm>>
        %dma_wait3A_55 = tpu.memref_slice %arg2[%mul3A_5] : memref<1638xi32, #tpu.memory_space<hbm>> -> memref<208xi32, #tpu.memory_space<hbm>>
        tpu.wait_dma2 semaphore(%arg19 : memref<!tpu.dma_semaphore, #tpu.memory_space<semaphore_mem>>) src(%dma_wait3A_55 : memref<208xi32, #tpu.memory_space<hbm>>) dst(%arg7 : memref<208xi32, #tpu.memory_space<vmem>>)
        %dma_wait3A_56 = tpu.memref_slice %arg3[%mul3A_5] : memref<1638xi32, #tpu.memory_space<hbm>> -> memref<208xi32, #tpu.memory_space<hbm>>
        %dma_wait3A_57 = tpu.memref_slice %arg3[%mul3A_5] : memref<1638xi32, #tpu.memory_space<hbm>> -> memref<208xi32, #tpu.memory_space<hbm>>
        tpu.wait_dma2 semaphore(%arg20 : memref<!tpu.dma_semaphore, #tpu.memory_space<semaphore_mem>>) src(%dma_wait3A_57 : memref<208xi32, #tpu.memory_space<hbm>>) dst(%arg8 : memref<208xi32, #tpu.memory_space<vmem>>)
      } else {
      }
      %eq3A_10 = arith.constant 7 : i32
      %eq3A_11 = arith.cmpi eq, %arg1, %eq3A_10 : i32
      %convert_element_type3A_12 = arith.extui %eq3A_11 : i1 to i32
      %cond3A_13 = arith.constant 0 : i32
      %cond3A_14 = arith.cmpi ne, %convert_element_type3A_12, %cond3A_13 : i32
      scf.if %cond3A_14 {
        %swap3A = arith.constant 176 : index
        %swap3A_52 = tpu.vector_load %arg7[%swap3A] {strides = array<i32>} : memref<208xi32, #tpu.memory_space<vmem>>, vector<16xi32>,
        tpu.vector_store %arg7[%swap3A], %broadcast_in_dim3A_4 {strides = array<i32>} : memref<208xi32, #tpu.memory_space<vmem>>, vector<16xi32>,
        %swap3A_53 = arith.constant 192 : index
        %swap3A_54 = tpu.vector_load %arg7[%swap3A_53] {strides = array<i32>} : memref<208xi32, #tpu.memory_space<vmem>>, vector<16xi32>,
        tpu.vector_store %arg7[%swap3A_53], %broadcast_in_dim3A_4 {strides = array<i32>} : memref<208xi32, #tpu.memory_space<vmem>>, vector<16xi32>,
        %dma_start3A = arith.constant 0 : i32
        %dma_start3A_55 = tpu.memref_slice %arg7[%dma_start3A] : memref<208xi32, #tpu.memory_space<vmem>> -> memref<182xi32, #tpu.memory_space<vmem>>
        %dma_start3A_56 = tpu.memref_slice %arg2[%mul3A_5] : memref<1638xi32, #tpu.memory_space<hbm>> -> memref<182xi32, #tpu.memory_space<hbm>>
        %dma_start3A_57 = arith.constant 0 : i32
        %dma_start3A_58 = tpu.memref_slice %arg7[%dma_start3A_57] : memref<208xi32, #tpu.memory_space<vmem>> -> memref<182xi32, #tpu.memory_space<vmem>>
        %dma_start3A_59 = tpu.memref_slice %arg2[%mul3A_5] : memref<1638xi32, #tpu.memory_space<hbm>> -> memref<182xi32, #tpu.memory_space<hbm>>
        tpu.enqueue_dma source(%dma_start3A_59 : memref<182xi32, #tpu.memory_space<hbm>>) target(%dma_start3A_58 : memref<182xi32, #tpu.memory_space<vmem>>) target_semaphore(%arg19 : memref<!tpu.dma_semaphore, #tpu.memory_space<semaphore_mem>>)
        %dma_start3A_60 = arith.constant 0 : i32
        %dma_start3A_61 = tpu.memref_slice %arg8[%dma_start3A_60] : memref<208xi32, #tpu.memory_space<vmem>> -> memref<182xi32, #tpu.memory_space<vmem>>
        %dma_start3A_62 = tpu.memref_slice %arg3[%mul3A_5] : memref<1638xi32, #tpu.memory_space<hbm>> -> memref<182xi32, #tpu.memory_space<hbm>>
        %dma_start3A_63 = arith.constant 0 : i32
        %dma_start3A_64 = tpu.memref_slice %arg8[%dma_start3A_63] : memref<208xi32, #tpu.memory_space<vmem>> -> memref<182xi32, #tpu.memory_space<vmem>>
        %dma_start3A_65 = tpu.memref_slice %arg3[%mul3A_5] : memref<1638xi32, #tpu.memory_space<hbm>> -> memref<182xi32, #tpu.memory_space<hbm>>
        tpu.enqueue_dma source(%dma_start3A_65 : memref<182xi32, #tpu.memory_space<hbm>>) target(%dma_start3A_64 : memref<182xi32, #tpu.memory_space<vmem>>) target_semaphore(%arg20 : memref<!tpu.dma_semaphore, #tpu.memory_space<semaphore_mem>>)
        %dma_wait3A = arith.constant 0 : i32
        %dma_wait3A_66 = tpu.memref_slice %arg7[%dma_wait3A] : memref<208xi32, #tpu.memory_space<vmem>> -> memref<182xi32, #tpu.memory_space<vmem>>
        %dma_wait3A_67 = tpu.memref_slice %arg2[%mul3A_5] : memref<1638xi32, #tpu.memory_space<hbm>> -> memref<182xi32, #tpu.memory_space<hbm>>
        %dma_wait3A_68 = arith.constant 0 : i32
        %dma_wait3A_69 = tpu.memref_slice %arg7[%dma_wait3A_68] : memref<208xi32, #tpu.memory_space<vmem>> -> memref<182xi32, #tpu.memory_space<vmem>>
        %dma_wait3A_70 = tpu.memref_slice %arg2[%mul3A_5] : memref<1638xi32, #tpu.memory_space<hbm>> -> memref<182xi32, #tpu.memory_space<hbm>>
        tpu.wait_dma2 semaphore(%arg19 : memref<!tpu.dma_semaphore, #tpu.memory_space<semaphore_mem>>) src(%dma_wait3A_70 : memref<182xi32, #tpu.memory_space<hbm>>) dst(%dma_wait3A_69 : memref<182xi32, #tpu.memory_space<vmem>>)
        %dma_wait3A_71 = arith.constant 0 : i32
        %dma_wait3A_72 = tpu.memref_slice %arg8[%dma_wait3A_71] : memref<208xi32, #tpu.memory_space<vmem>> -> memref<182xi32, #tpu.memory_space<vmem>>
        %dma_wait3A_73 = tpu.memref_slice %arg3[%mul3A_5] : memref<1638xi32, #tpu.memory_space<hbm>> -> memref<182xi32, #tpu.memory_space<hbm>>
        %dma_wait3A_74 = arith.constant 0 : i32
        %dma_wait3A_75 = tpu.memref_slice %arg8[%dma_wait3A_74] : memref<208xi32, #tpu.memory_space<vmem>> -> memref<182xi32, #tpu.memory_space<vmem>>
        %dma_wait3A_76 = tpu.memref_slice %arg3[%mul3A_5] : memref<1638xi32, #tpu.memory_space<hbm>> -> memref<182xi32, #tpu.memory_space<hbm>>
        tpu.wait_dma2 semaphore(%arg20 : memref<!tpu.dma_semaphore, #tpu.memory_space<semaphore_mem>>) src(%dma_wait3A_76 : memref<182xi32, #tpu.memory_space<hbm>>) dst(%dma_wait3A_75 : memref<182xi32, #tpu.memory_space<vmem>>)
      } else {
      }
      %gt3A = arith.constant 7 : i32
      %gt3A_15 = arith.cmpi sgt, %arg1, %gt3A : i32
      %lt3A_16 = arith.constant 8 : i32
      %lt3A_17 = arith.cmpi slt, %arg1, %lt3A_16 : i32
      %and3A = arith.andi %gt3A_15, %lt3A_17 : i1
      %convert_element_type3A_18 = arith.extui %and3A : i1 to i32
      %cond3A_19 = arith.constant 0 : i32
      %cond3A_20 = arith.cmpi ne, %convert_element_type3A_18, %cond3A_19 : i32
      scf.if %cond3A_20 {
        %swap3A = arith.constant 0 : index
        %swap3A_52 = tpu.vector_load %arg7[%swap3A] {strides = array<i32>} : memref<208xi32, #tpu.memory_space<vmem>>, vector<16xi32>,
        tpu.vector_store %arg7[%swap3A], %broadcast_in_dim3A_4 {strides = array<i32>} : memref<208xi32, #tpu.memory_space<vmem>>, vector<16xi32>,
        %swap3A_53 = arith.constant 16 : index
        %swap3A_54 = tpu.vector_load %arg7[%swap3A_53] {strides = array<i32>} : memref<208xi32, #tpu.memory_space<vmem>>, vector<16xi32>,
        tpu.vector_store %arg7[%swap3A_53], %broadcast_in_dim3A_4 {strides = array<i32>} : memref<208xi32, #tpu.memory_space<vmem>>, vector<16xi32>,
        %swap3A_55 = arith.constant 32 : index
        %swap3A_56 = tpu.vector_load %arg7[%swap3A_55] {strides = array<i32>} : memref<208xi32, #tpu.memory_space<vmem>>, vector<16xi32>,
        tpu.vector_store %arg7[%swap3A_55], %broadcast_in_dim3A_4 {strides = array<i32>} : memref<208xi32, #tpu.memory_space<vmem>>, vector<16xi32>,
        %swap3A_57 = arith.constant 48 : index
        %swap3A_58 = tpu.vector_load %arg7[%swap3A_57] {strides = array<i32>} : memref<208xi32, #tpu.memory_space<vmem>>, vector<16xi32>,
        tpu.vector_store %arg7[%swap3A_57], %broadcast_in_dim3A_4 {strides = array<i32>} : memref<208xi32, #tpu.memory_space<vmem>>, vector<16xi32>,
        %swap3A_59 = arith.constant 64 : index
        %swap3A_60 = tpu.vector_load %arg7[%swap3A_59] {strides = array<i32>} : memref<208xi32, #tpu.memory_space<vmem>>, vector<16xi32>,
        tpu.vector_store %arg7[%swap3A_59], %broadcast_in_dim3A_4 {strides = array<i32>} : memref<208xi32, #tpu.memory_space<vmem>>, vector<16xi32>,
        %swap3A_61 = arith.constant 80 : index
        %swap3A_62 = tpu.vector_load %arg7[%swap3A_61] {strides = array<i32>} : memref<208xi32, #tpu.memory_space<vmem>>, vector<16xi32>,
        tpu.vector_store %arg7[%swap3A_61], %broadcast_in_dim3A_4 {strides = array<i32>} : memref<208xi32, #tpu.memory_space<vmem>>, vector<16xi32>,
        %swap3A_63 = arith.constant 96 : index
        %swap3A_64 = tpu.vector_load %arg7[%swap3A_63] {strides = array<i32>} : memref<208xi32, #tpu.memory_space<vmem>>, vector<16xi32>,
        tpu.vector_store %arg7[%swap3A_63], %broadcast_in_dim3A_4 {strides = array<i32>} : memref<208xi32, #tpu.memory_space<vmem>>, vector<16xi32>,
        %swap3A_65 = arith.constant 112 : index
        %swap3A_66 = tpu.vector_load %arg7[%swap3A_65] {strides = array<i32>} : memref<208xi32, #tpu.memory_space<vmem>>, vector<16xi32>,
        tpu.vector_store %arg7[%swap3A_65], %broadcast_in_dim3A_4 {strides = array<i32>} : memref<208xi32, #tpu.memory_space<vmem>>, vector<16xi32>,
        %swap3A_67 = arith.constant 128 : index
        %swap3A_68 = tpu.vector_load %arg7[%swap3A_67] {strides = array<i32>} : memref<208xi32, #tpu.memory_space<vmem>>, vector<16xi32>,
        tpu.vector_store %arg7[%swap3A_67], %broadcast_in_dim3A_4 {strides = array<i32>} : memref<208xi32, #tpu.memory_space<vmem>>, vector<16xi32>,
        %swap3A_69 = arith.constant 144 : index
        %swap3A_70 = tpu.vector_load %arg7[%swap3A_69] {strides = array<i32>} : memref<208xi32, #tpu.memory_space<vmem>>, vector<16xi32>,
        tpu.vector_store %arg7[%swap3A_69], %broadcast_in_dim3A_4 {strides = array<i32>} : memref<208xi32, #tpu.memory_space<vmem>>, vector<16xi32>,
        %swap3A_71 = arith.constant 160 : index
        %swap3A_72 = tpu.vector_load %arg7[%swap3A_71] {strides = array<i32>} : memref<208xi32, #tpu.memory_space<vmem>>, vector<16xi32>,
        tpu.vector_store %arg7[%swap3A_71], %broadcast_in_dim3A_4 {strides = array<i32>} : memref<208xi32, #tpu.memory_space<vmem>>, vector<16xi32>,
        %swap3A_73 = arith.constant 176 : index
        %swap3A_74 = tpu.vector_load %arg7[%swap3A_73] {strides = array<i32>} : memref<208xi32, #tpu.memory_space<vmem>>, vector<16xi32>,
        tpu.vector_store %arg7[%swap3A_73], %broadcast_in_dim3A_4 {strides = array<i32>} : memref<208xi32, #tpu.memory_space<vmem>>, vector<16xi32>,
        %swap3A_75 = arith.constant 192 : index
        %swap3A_76 = tpu.vector_load %arg7[%swap3A_75] {strides = array<i32>} : memref<208xi32, #tpu.memory_space<vmem>>, vector<16xi32>,
        tpu.vector_store %arg7[%swap3A_75], %broadcast_in_dim3A_4 {strides = array<i32>} : memref<208xi32, #tpu.memory_space<vmem>>, vector<16xi32>,
      } else {
      }
      %lt3A_21 = arith.constant 8 : i32
      "tpu.trace_stop"() : () -> ()
      "tpu.trace_start"() <{level = 10 : i32, message = "ph_a"}> : () -> ()
      %lt3A_22 = arith.cmpi slt, %arg1, %lt3A_21 : i32
      %convert_element_type3A_23 = arith.extui %lt3A_22 : i1 to i32
      %cond3A_24 = arith.constant 0 : i32
      %cond3A_25 = arith.cmpi ne, %convert_element_type3A_23, %cond3A_24 : i32
      scf.if %cond3A_25 {
        %swap3A = arith.constant 0 : index
        %swap3A_52 = tpu.vector_load %arg12[%swap3A] {strides = array<i32>} : memref<144xi32, #tpu.memory_space<vmem>>, vector<16xi32>,
        tpu.vector_store %arg12[%swap3A], %broadcast_in_dim3A_2 {strides = array<i32>} : memref<144xi32, #tpu.memory_space<vmem>>, vector<16xi32>,
        %swap3A_53 = arith.constant 16 : index
        %swap3A_54 = tpu.vector_load %arg12[%swap3A_53] {strides = array<i32>} : memref<144xi32, #tpu.memory_space<vmem>>, vector<16xi32>,
        tpu.vector_store %arg12[%swap3A_53], %broadcast_in_dim3A_2 {strides = array<i32>} : memref<144xi32, #tpu.memory_space<vmem>>, vector<16xi32>,
        %swap3A_55 = arith.constant 32 : index
        %swap3A_56 = tpu.vector_load %arg12[%swap3A_55] {strides = array<i32>} : memref<144xi32, #tpu.memory_space<vmem>>, vector<16xi32>,
        tpu.vector_store %arg12[%swap3A_55], %broadcast_in_dim3A_2 {strides = array<i32>} : memref<144xi32, #tpu.memory_space<vmem>>, vector<16xi32>,
        %swap3A_57 = arith.constant 48 : index
        %swap3A_58 = tpu.vector_load %arg12[%swap3A_57] {strides = array<i32>} : memref<144xi32, #tpu.memory_space<vmem>>, vector<16xi32>,
        tpu.vector_store %arg12[%swap3A_57], %broadcast_in_dim3A_2 {strides = array<i32>} : memref<144xi32, #tpu.memory_space<vmem>>, vector<16xi32>,
        %swap3A_59 = arith.constant 64 : index
        %swap3A_60 = tpu.vector_load %arg12[%swap3A_59] {strides = array<i32>} : memref<144xi32, #tpu.memory_space<vmem>>, vector<16xi32>,
        tpu.vector_store %arg12[%swap3A_59], %broadcast_in_dim3A_2 {strides = array<i32>} : memref<144xi32, #tpu.memory_space<vmem>>, vector<16xi32>,
        %swap3A_61 = arith.constant 80 : index
        %swap3A_62 = tpu.vector_load %arg12[%swap3A_61] {strides = array<i32>} : memref<144xi32, #tpu.memory_space<vmem>>, vector<16xi32>,
        tpu.vector_store %arg12[%swap3A_61], %broadcast_in_dim3A_2 {strides = array<i32>} : memref<144xi32, #tpu.memory_space<vmem>>, vector<16xi32>,
        %swap3A_63 = arith.constant 96 : index
        %swap3A_64 = tpu.vector_load %arg12[%swap3A_63] {strides = array<i32>} : memref<144xi32, #tpu.memory_space<vmem>>, vector<16xi32>,
        tpu.vector_store %arg12[%swap3A_63], %broadcast_in_dim3A_2 {strides = array<i32>} : memref<144xi32, #tpu.memory_space<vmem>>, vector<16xi32>,
        %swap3A_65 = arith.constant 112 : index
        %swap3A_66 = tpu.vector_load %arg12[%swap3A_65] {strides = array<i32>} : memref<144xi32, #tpu.memory_space<vmem>>, vector<16xi32>,
        tpu.vector_store %arg12[%swap3A_65], %broadcast_in_dim3A_2 {strides = array<i32>} : memref<144xi32, #tpu.memory_space<vmem>>, vector<16xi32>,
        %swap3A_67 = arith.constant 128 : index
        %swap3A_68 = tpu.vector_load %arg12[%swap3A_67] {strides = array<i32>} : memref<144xi32, #tpu.memory_space<vmem>>, vector<16xi32>,
        tpu.vector_store %arg12[%swap3A_67], %broadcast_in_dim3A_2 {strides = array<i32>} : memref<144xi32, #tpu.memory_space<vmem>>, vector<16xi32>,
        %get3A = arith.constant 0 : index
        %get3A_69 = tpu.vector_load %arg7[%get3A] {strides = array<i32>} : memref<208xi32, #tpu.memory_space<vmem>>, vector<16xi32>,
        %broadcast_in_dim3A_70 = arith.constant true
        %broadcast_in_dim3A_71 = vector.broadcast %broadcast_in_dim3A_70 : i1 to vector<16xi1>
        %unique3A, %unique3A_72 = tpu.scan_count mask(%broadcast_in_dim3A_71 : vector<16xi1>) value(%get3A_69 : vector<16xi32>) : vector<16xi1>, vector<16xi32>
        %gather3A = tpu.vector_load_idx %arg12[%get3A_69] : memref<144xi32, #tpu.memory_space<vmem>>[vector<16xi32>], vector<16xi32>,
        %add3A = arith.addi %gather3A, %unique3A_72 : vector<16xi32>
        %sub3A = arith.constant 1 : i32
        %sub3A_73 = vector.broadcast %sub3A : i32 to vector<16xi32>
        %sub3A_74 = arith.subi %add3A, %sub3A_73 : vector<16xi32>
        %swap3A_75 = arith.constant 0 : index
        %swap3A_76 = tpu.vector_load %arg9[%swap3A_75] {strides = array<i32>} : memref<208xi32, #tpu.memory_space<vmem>>, vector<16xi32>,
        tpu.vector_store %arg9[%swap3A_75], %sub3A_74 {strides = array<i32>} : memref<208xi32, #tpu.memory_space<vmem>>, vector<16xi32>,
        %add3A_77 = arith.constant 1 : i32
        %add3A_78 = vector.broadcast %add3A_77 : i32 to vector<16xi32>
        %add3A_79 = arith.addi %sub3A_74, %add3A_78 : vector<16xi32>
        tpu.vector_store_idx %arg12[%get3A_69], %add3A_79 masked %unique3A : memref<144xi32, #tpu.memory_space<vmem>>[vector<16xi32>], vector<16xi32>, vector<16xi1>
        %get3A_80 = arith.constant 16 : index
        %get3A_81 = tpu.vector_load %arg7[%get3A_80] {strides = array<i32>} : memref<208xi32, #tpu.memory_space<vmem>>, vector<16xi32>,
        %broadcast_in_dim3A_82 = arith.constant true
        %broadcast_in_dim3A_83 = vector.broadcast %broadcast_in_dim3A_82 : i1 to vector<16xi1>
        %unique3A_84, %unique3A_85 = tpu.scan_count mask(%broadcast_in_dim3A_83 : vector<16xi1>) value(%get3A_81 : vector<16xi32>) : vector<16xi1>, vector<16xi32>
        %gather3A_86 = tpu.vector_load_idx %arg12[%get3A_81] : memref<144xi32, #tpu.memory_space<vmem>>[vector<16xi32>], vector<16xi32>,
        %add3A_87 = arith.addi %gather3A_86, %unique3A_85 : vector<16xi32>
        %sub3A_88 = arith.constant 1 : i32
        %sub3A_89 = vector.broadcast %sub3A_88 : i32 to vector<16xi32>
        %sub3A_90 = arith.subi %add3A_87, %sub3A_89 : vector<16xi32>
        %swap3A_91 = arith.constant 16 : index
        %swap3A_92 = tpu.vector_load %arg9[%swap3A_91] {strides = array<i32>} : memref<208xi32, #tpu.memory_space<vmem>>, vector<16xi32>,
        tpu.vector_store %arg9[%swap3A_91], %sub3A_90 {strides = array<i32>} : memref<208xi32, #tpu.memory_space<vmem>>, vector<16xi32>,
        %add3A_93 = arith.constant 1 : i32
        %add3A_94 = vector.broadcast %add3A_93 : i32 to vector<16xi32>
        %add3A_95 = arith.addi %sub3A_90, %add3A_94 : vector<16xi32>
        tpu.vector_store_idx %arg12[%get3A_81], %add3A_95 masked %unique3A_84 : memref<144xi32, #tpu.memory_space<vmem>>[vector<16xi32>], vector<16xi32>, vector<16xi1>
        %get3A_96 = arith.constant 32 : index
        %get3A_97 = tpu.vector_load %arg7[%get3A_96] {strides = array<i32>} : memref<208xi32, #tpu.memory_space<vmem>>, vector<16xi32>,
        %broadcast_in_dim3A_98 = arith.constant true
        %broadcast_in_dim3A_99 = vector.broadcast %broadcast_in_dim3A_98 : i1 to vector<16xi1>
        %unique3A_100, %unique3A_101 = tpu.scan_count mask(%broadcast_in_dim3A_99 : vector<16xi1>) value(%get3A_97 : vector<16xi32>) : vector<16xi1>, vector<16xi32>
        %gather3A_102 = tpu.vector_load_idx %arg12[%get3A_97] : memref<144xi32, #tpu.memory_space<vmem>>[vector<16xi32>], vector<16xi32>,
        %add3A_103 = arith.addi %gather3A_102, %unique3A_101 : vector<16xi32>
        %sub3A_104 = arith.constant 1 : i32
        %sub3A_105 = vector.broadcast %sub3A_104 : i32 to vector<16xi32>
        %sub3A_106 = arith.subi %add3A_103, %sub3A_105 : vector<16xi32>
        %swap3A_107 = arith.constant 32 : index
        %swap3A_108 = tpu.vector_load %arg9[%swap3A_107] {strides = array<i32>} : memref<208xi32, #tpu.memory_space<vmem>>, vector<16xi32>,
        tpu.vector_store %arg9[%swap3A_107], %sub3A_106 {strides = array<i32>} : memref<208xi32, #tpu.memory_space<vmem>>, vector<16xi32>,
        %add3A_109 = arith.constant 1 : i32
        %add3A_110 = vector.broadcast %add3A_109 : i32 to vector<16xi32>
        %add3A_111 = arith.addi %sub3A_106, %add3A_110 : vector<16xi32>
        tpu.vector_store_idx %arg12[%get3A_97], %add3A_111 masked %unique3A_100 : memref<144xi32, #tpu.memory_space<vmem>>[vector<16xi32>], vector<16xi32>, vector<16xi1>
        %get3A_112 = arith.constant 48 : index
        %get3A_113 = tpu.vector_load %arg7[%get3A_112] {strides = array<i32>} : memref<208xi32, #tpu.memory_space<vmem>>, vector<16xi32>,
        %broadcast_in_dim3A_114 = arith.constant true
        %broadcast_in_dim3A_115 = vector.broadcast %broadcast_in_dim3A_114 : i1 to vector<16xi1>
        %unique3A_116, %unique3A_117 = tpu.scan_count mask(%broadcast_in_dim3A_115 : vector<16xi1>) value(%get3A_113 : vector<16xi32>) : vector<16xi1>, vector<16xi32>
        %gather3A_118 = tpu.vector_load_idx %arg12[%get3A_113] : memref<144xi32, #tpu.memory_space<vmem>>[vector<16xi32>], vector<16xi32>,
        %add3A_119 = arith.addi %gather3A_118, %unique3A_117 : vector<16xi32>
        %sub3A_120 = arith.constant 1 : i32
        %sub3A_121 = vector.broadcast %sub3A_120 : i32 to vector<16xi32>
        %sub3A_122 = arith.subi %add3A_119, %sub3A_121 : vector<16xi32>
        %swap3A_123 = arith.constant 48 : index
        %swap3A_124 = tpu.vector_load %arg9[%swap3A_123] {strides = array<i32>} : memref<208xi32, #tpu.memory_space<vmem>>, vector<16xi32>,
        tpu.vector_store %arg9[%swap3A_123], %sub3A_122 {strides = array<i32>} : memref<208xi32, #tpu.memory_space<vmem>>, vector<16xi32>,
        %add3A_125 = arith.constant 1 : i32
        %add3A_126 = vector.broadcast %add3A_125 : i32 to vector<16xi32>
        %add3A_127 = arith.addi %sub3A_122, %add3A_126 : vector<16xi32>
        tpu.vector_store_idx %arg12[%get3A_113], %add3A_127 masked %unique3A_116 : memref<144xi32, #tpu.memory_space<vmem>>[vector<16xi32>], vector<16xi32>, vector<16xi1>
        %get3A_128 = arith.constant 64 : index
        %get3A_129 = tpu.vector_load %arg7[%get3A_128] {strides = array<i32>} : memref<208xi32, #tpu.memory_space<vmem>>, vector<16xi32>,
        %broadcast_in_dim3A_130 = arith.constant true
        %broadcast_in_dim3A_131 = vector.broadcast %broadcast_in_dim3A_130 : i1 to vector<16xi1>
        %unique3A_132, %unique3A_133 = tpu.scan_count mask(%broadcast_in_dim3A_131 : vector<16xi1>) value(%get3A_129 : vector<16xi32>) : vector<16xi1>, vector<16xi32>
        %gather3A_134 = tpu.vector_load_idx %arg12[%get3A_129] : memref<144xi32, #tpu.memory_space<vmem>>[vector<16xi32>], vector<16xi32>,
        %add3A_135 = arith.addi %gather3A_134, %unique3A_133 : vector<16xi32>
        %sub3A_136 = arith.constant 1 : i32
        %sub3A_137 = vector.broadcast %sub3A_136 : i32 to vector<16xi32>
        %sub3A_138 = arith.subi %add3A_135, %sub3A_137 : vector<16xi32>
        %swap3A_139 = arith.constant 64 : index
        %swap3A_140 = tpu.vector_load %arg9[%swap3A_139] {strides = array<i32>} : memref<208xi32, #tpu.memory_space<vmem>>, vector<16xi32>,
        tpu.vector_store %arg9[%swap3A_139], %sub3A_138 {strides = array<i32>} : memref<208xi32, #tpu.memory_space<vmem>>, vector<16xi32>,
        %add3A_141 = arith.constant 1 : i32
        %add3A_142 = vector.broadcast %add3A_141 : i32 to vector<16xi32>
        %add3A_143 = arith.addi %sub3A_138, %add3A_142 : vector<16xi32>
        tpu.vector_store_idx %arg12[%get3A_129], %add3A_143 masked %unique3A_132 : memref<144xi32, #tpu.memory_space<vmem>>[vector<16xi32>], vector<16xi32>, vector<16xi1>
        %get3A_144 = arith.constant 80 : index
        %get3A_145 = tpu.vector_load %arg7[%get3A_144] {strides = array<i32>} : memref<208xi32, #tpu.memory_space<vmem>>, vector<16xi32>,
        %broadcast_in_dim3A_146 = arith.constant true
        %broadcast_in_dim3A_147 = vector.broadcast %broadcast_in_dim3A_146 : i1 to vector<16xi1>
        %unique3A_148, %unique3A_149 = tpu.scan_count mask(%broadcast_in_dim3A_147 : vector<16xi1>) value(%get3A_145 : vector<16xi32>) : vector<16xi1>, vector<16xi32>
        %gather3A_150 = tpu.vector_load_idx %arg12[%get3A_145] : memref<144xi32, #tpu.memory_space<vmem>>[vector<16xi32>], vector<16xi32>,
        %add3A_151 = arith.addi %gather3A_150, %unique3A_149 : vector<16xi32>
        %sub3A_152 = arith.constant 1 : i32
        %sub3A_153 = vector.broadcast %sub3A_152 : i32 to vector<16xi32>
        %sub3A_154 = arith.subi %add3A_151, %sub3A_153 : vector<16xi32>
        %swap3A_155 = arith.constant 80 : index
        %swap3A_156 = tpu.vector_load %arg9[%swap3A_155] {strides = array<i32>} : memref<208xi32, #tpu.memory_space<vmem>>, vector<16xi32>,
        tpu.vector_store %arg9[%swap3A_155], %sub3A_154 {strides = array<i32>} : memref<208xi32, #tpu.memory_space<vmem>>, vector<16xi32>,
        %add3A_157 = arith.constant 1 : i32
        %add3A_158 = vector.broadcast %add3A_157 : i32 to vector<16xi32>
        %add3A_159 = arith.addi %sub3A_154, %add3A_158 : vector<16xi32>
        tpu.vector_store_idx %arg12[%get3A_145], %add3A_159 masked %unique3A_148 : memref<144xi32, #tpu.memory_space<vmem>>[vector<16xi32>], vector<16xi32>, vector<16xi1>
        %get3A_160 = arith.constant 96 : index
        %get3A_161 = tpu.vector_load %arg7[%get3A_160] {strides = array<i32>} : memref<208xi32, #tpu.memory_space<vmem>>, vector<16xi32>,
        %broadcast_in_dim3A_162 = arith.constant true
        %broadcast_in_dim3A_163 = vector.broadcast %broadcast_in_dim3A_162 : i1 to vector<16xi1>
        %unique3A_164, %unique3A_165 = tpu.scan_count mask(%broadcast_in_dim3A_163 : vector<16xi1>) value(%get3A_161 : vector<16xi32>) : vector<16xi1>, vector<16xi32>
        %gather3A_166 = tpu.vector_load_idx %arg12[%get3A_161] : memref<144xi32, #tpu.memory_space<vmem>>[vector<16xi32>], vector<16xi32>,
        %add3A_167 = arith.addi %gather3A_166, %unique3A_165 : vector<16xi32>
        %sub3A_168 = arith.constant 1 : i32
        %sub3A_169 = vector.broadcast %sub3A_168 : i32 to vector<16xi32>
        %sub3A_170 = arith.subi %add3A_167, %sub3A_169 : vector<16xi32>
        %swap3A_171 = arith.constant 96 : index
        %swap3A_172 = tpu.vector_load %arg9[%swap3A_171] {strides = array<i32>} : memref<208xi32, #tpu.memory_space<vmem>>, vector<16xi32>,
        tpu.vector_store %arg9[%swap3A_171], %sub3A_170 {strides = array<i32>} : memref<208xi32, #tpu.memory_space<vmem>>, vector<16xi32>,
        %add3A_173 = arith.constant 1 : i32
        %add3A_174 = vector.broadcast %add3A_173 : i32 to vector<16xi32>
        %add3A_175 = arith.addi %sub3A_170, %add3A_174 : vector<16xi32>
        tpu.vector_store_idx %arg12[%get3A_161], %add3A_175 masked %unique3A_164 : memref<144xi32, #tpu.memory_space<vmem>>[vector<16xi32>], vector<16xi32>, vector<16xi1>
        %get3A_176 = arith.constant 112 : index
        %get3A_177 = tpu.vector_load %arg7[%get3A_176] {strides = array<i32>} : memref<208xi32, #tpu.memory_space<vmem>>, vector<16xi32>,
        %broadcast_in_dim3A_178 = arith.constant true
        %broadcast_in_dim3A_179 = vector.broadcast %broadcast_in_dim3A_178 : i1 to vector<16xi1>
        %unique3A_180, %unique3A_181 = tpu.scan_count mask(%broadcast_in_dim3A_179 : vector<16xi1>) value(%get3A_177 : vector<16xi32>) : vector<16xi1>, vector<16xi32>
        %gather3A_182 = tpu.vector_load_idx %arg12[%get3A_177] : memref<144xi32, #tpu.memory_space<vmem>>[vector<16xi32>], vector<16xi32>,
        %add3A_183 = arith.addi %gather3A_182, %unique3A_181 : vector<16xi32>
        %sub3A_184 = arith.constant 1 : i32
        %sub3A_185 = vector.broadcast %sub3A_184 : i32 to vector<16xi32>
        %sub3A_186 = arith.subi %add3A_183, %sub3A_185 : vector<16xi32>
        %swap3A_187 = arith.constant 112 : index
        %swap3A_188 = tpu.vector_load %arg9[%swap3A_187] {strides = array<i32>} : memref<208xi32, #tpu.memory_space<vmem>>, vector<16xi32>,
        tpu.vector_store %arg9[%swap3A_187], %sub3A_186 {strides = array<i32>} : memref<208xi32, #tpu.memory_space<vmem>>, vector<16xi32>,
        %add3A_189 = arith.constant 1 : i32
        %add3A_190 = vector.broadcast %add3A_189 : i32 to vector<16xi32>
        %add3A_191 = arith.addi %sub3A_186, %add3A_190 : vector<16xi32>
        tpu.vector_store_idx %arg12[%get3A_177], %add3A_191 masked %unique3A_180 : memref<144xi32, #tpu.memory_space<vmem>>[vector<16xi32>], vector<16xi32>, vector<16xi1>
        %get3A_192 = arith.constant 128 : index
        %get3A_193 = tpu.vector_load %arg7[%get3A_192] {strides = array<i32>} : memref<208xi32, #tpu.memory_space<vmem>>, vector<16xi32>,
        %broadcast_in_dim3A_194 = arith.constant true
        %broadcast_in_dim3A_195 = vector.broadcast %broadcast_in_dim3A_194 : i1 to vector<16xi1>
        %unique3A_196, %unique3A_197 = tpu.scan_count mask(%broadcast_in_dim3A_195 : vector<16xi1>) value(%get3A_193 : vector<16xi32>) : vector<16xi1>, vector<16xi32>
        %gather3A_198 = tpu.vector_load_idx %arg12[%get3A_193] : memref<144xi32, #tpu.memory_space<vmem>>[vector<16xi32>], vector<16xi32>,
        %add3A_199 = arith.addi %gather3A_198, %unique3A_197 : vector<16xi32>
        %sub3A_200 = arith.constant 1 : i32
        %sub3A_201 = vector.broadcast %sub3A_200 : i32 to vector<16xi32>
        %sub3A_202 = arith.subi %add3A_199, %sub3A_201 : vector<16xi32>
        %swap3A_203 = arith.constant 128 : index
        %swap3A_204 = tpu.vector_load %arg9[%swap3A_203] {strides = array<i32>} : memref<208xi32, #tpu.memory_space<vmem>>, vector<16xi32>,
        tpu.vector_store %arg9[%swap3A_203], %sub3A_202 {strides = array<i32>} : memref<208xi32, #tpu.memory_space<vmem>>, vector<16xi32>,
        %add3A_205 = arith.constant 1 : i32
        %add3A_206 = vector.broadcast %add3A_205 : i32 to vector<16xi32>
        %add3A_207 = arith.addi %sub3A_202, %add3A_206 : vector<16xi32>
        tpu.vector_store_idx %arg12[%get3A_193], %add3A_207 masked %unique3A_196 : memref<144xi32, #tpu.memory_space<vmem>>[vector<16xi32>], vector<16xi32>, vector<16xi1>
        %get3A_208 = arith.constant 144 : index
        %get3A_209 = tpu.vector_load %arg7[%get3A_208] {strides = array<i32>} : memref<208xi32, #tpu.memory_space<vmem>>, vector<16xi32>,
        %broadcast_in_dim3A_210 = arith.constant true
        %broadcast_in_dim3A_211 = vector.broadcast %broadcast_in_dim3A_210 : i1 to vector<16xi1>
        %unique3A_212, %unique3A_213 = tpu.scan_count mask(%broadcast_in_dim3A_211 : vector<16xi1>) value(%get3A_209 : vector<16xi32>) : vector<16xi1>, vector<16xi32>
        %gather3A_214 = tpu.vector_load_idx %arg12[%get3A_209] : memref<144xi32, #tpu.memory_space<vmem>>[vector<16xi32>], vector<16xi32>,
        %add3A_215 = arith.addi %gather3A_214, %unique3A_213 : vector<16xi32>
        %sub3A_216 = arith.constant 1 : i32
        %sub3A_217 = vector.broadcast %sub3A_216 : i32 to vector<16xi32>
        %sub3A_218 = arith.subi %add3A_215, %sub3A_217 : vector<16xi32>
        %swap3A_219 = arith.constant 144 : index
        %swap3A_220 = tpu.vector_load %arg9[%swap3A_219] {strides = array<i32>} : memref<208xi32, #tpu.memory_space<vmem>>, vector<16xi32>,
        tpu.vector_store %arg9[%swap3A_219], %sub3A_218 {strides = array<i32>} : memref<208xi32, #tpu.memory_space<vmem>>, vector<16xi32>,
        %add3A_221 = arith.constant 1 : i32
        %add3A_222 = vector.broadcast %add3A_221 : i32 to vector<16xi32>
        %add3A_223 = arith.addi %sub3A_218, %add3A_222 : vector<16xi32>
        tpu.vector_store_idx %arg12[%get3A_209], %add3A_223 masked %unique3A_212 : memref<144xi32, #tpu.memory_space<vmem>>[vector<16xi32>], vector<16xi32>, vector<16xi1>
        %get3A_224 = arith.constant 160 : index
        %get3A_225 = tpu.vector_load %arg7[%get3A_224] {strides = array<i32>} : memref<208xi32, #tpu.memory_space<vmem>>, vector<16xi32>,
        %broadcast_in_dim3A_226 = arith.constant true
        %broadcast_in_dim3A_227 = vector.broadcast %broadcast_in_dim3A_226 : i1 to vector<16xi1>
        %unique3A_228, %unique3A_229 = tpu.scan_count mask(%broadcast_in_dim3A_227 : vector<16xi1>) value(%get3A_225 : vector<16xi32>) : vector<16xi1>, vector<16xi32>
        %gather3A_230 = tpu.vector_load_idx %arg12[%get3A_225] : memref<144xi32, #tpu.memory_space<vmem>>[vector<16xi32>], vector<16xi32>,
        %add3A_231 = arith.addi %gather3A_230, %unique3A_229 : vector<16xi32>
        %sub3A_232 = arith.constant 1 : i32
        %sub3A_233 = vector.broadcast %sub3A_232 : i32 to vector<16xi32>
        %sub3A_234 = arith.subi %add3A_231, %sub3A_233 : vector<16xi32>
        %swap3A_235 = arith.constant 160 : index
        %swap3A_236 = tpu.vector_load %arg9[%swap3A_235] {strides = array<i32>} : memref<208xi32, #tpu.memory_space<vmem>>, vector<16xi32>,
        tpu.vector_store %arg9[%swap3A_235], %sub3A_234 {strides = array<i32>} : memref<208xi32, #tpu.memory_space<vmem>>, vector<16xi32>,
        %add3A_237 = arith.constant 1 : i32
        %add3A_238 = vector.broadcast %add3A_237 : i32 to vector<16xi32>
        %add3A_239 = arith.addi %sub3A_234, %add3A_238 : vector<16xi32>
        tpu.vector_store_idx %arg12[%get3A_225], %add3A_239 masked %unique3A_228 : memref<144xi32, #tpu.memory_space<vmem>>[vector<16xi32>], vector<16xi32>, vector<16xi1>
        %get3A_240 = arith.constant 176 : index
        %get3A_241 = tpu.vector_load %arg7[%get3A_240] {strides = array<i32>} : memref<208xi32, #tpu.memory_space<vmem>>, vector<16xi32>,
        %broadcast_in_dim3A_242 = arith.constant true
        %broadcast_in_dim3A_243 = vector.broadcast %broadcast_in_dim3A_242 : i1 to vector<16xi1>
        %unique3A_244, %unique3A_245 = tpu.scan_count mask(%broadcast_in_dim3A_243 : vector<16xi1>) value(%get3A_241 : vector<16xi32>) : vector<16xi1>, vector<16xi32>
        %gather3A_246 = tpu.vector_load_idx %arg12[%get3A_241] : memref<144xi32, #tpu.memory_space<vmem>>[vector<16xi32>], vector<16xi32>,
        %add3A_247 = arith.addi %gather3A_246, %unique3A_245 : vector<16xi32>
        %sub3A_248 = arith.constant 1 : i32
        %sub3A_249 = vector.broadcast %sub3A_248 : i32 to vector<16xi32>
        %sub3A_250 = arith.subi %add3A_247, %sub3A_249 : vector<16xi32>
        %swap3A_251 = arith.constant 176 : index
        %swap3A_252 = tpu.vector_load %arg9[%swap3A_251] {strides = array<i32>} : memref<208xi32, #tpu.memory_space<vmem>>, vector<16xi32>,
        tpu.vector_store %arg9[%swap3A_251], %sub3A_250 {strides = array<i32>} : memref<208xi32, #tpu.memory_space<vmem>>, vector<16xi32>,
        %add3A_253 = arith.constant 1 : i32
        %add3A_254 = vector.broadcast %add3A_253 : i32 to vector<16xi32>
        %add3A_255 = arith.addi %sub3A_250, %add3A_254 : vector<16xi32>
        tpu.vector_store_idx %arg12[%get3A_241], %add3A_255 masked %unique3A_244 : memref<144xi32, #tpu.memory_space<vmem>>[vector<16xi32>], vector<16xi32>, vector<16xi1>
        %get3A_256 = arith.constant 192 : index
        %get3A_257 = tpu.vector_load %arg7[%get3A_256] {strides = array<i32>} : memref<208xi32, #tpu.memory_space<vmem>>, vector<16xi32>,
        %broadcast_in_dim3A_258 = arith.constant true
        %broadcast_in_dim3A_259 = vector.broadcast %broadcast_in_dim3A_258 : i1 to vector<16xi1>
        %unique3A_260, %unique3A_261 = tpu.scan_count mask(%broadcast_in_dim3A_259 : vector<16xi1>) value(%get3A_257 : vector<16xi32>) : vector<16xi1>, vector<16xi32>
        %gather3A_262 = tpu.vector_load_idx %arg12[%get3A_257] : memref<144xi32, #tpu.memory_space<vmem>>[vector<16xi32>], vector<16xi32>,
        %add3A_263 = arith.addi %gather3A_262, %unique3A_261 : vector<16xi32>
        %sub3A_264 = arith.constant 1 : i32
        %sub3A_265 = vector.broadcast %sub3A_264 : i32 to vector<16xi32>
        %sub3A_266 = arith.subi %add3A_263, %sub3A_265 : vector<16xi32>
        %swap3A_267 = arith.constant 192 : index
        %swap3A_268 = tpu.vector_load %arg9[%swap3A_267] {strides = array<i32>} : memref<208xi32, #tpu.memory_space<vmem>>, vector<16xi32>,
        tpu.vector_store %arg9[%swap3A_267], %sub3A_266 {strides = array<i32>} : memref<208xi32, #tpu.memory_space<vmem>>, vector<16xi32>,
        %add3A_269 = arith.constant 1 : i32
        %add3A_270 = vector.broadcast %add3A_269 : i32 to vector<16xi32>
        %add3A_271 = arith.addi %sub3A_266, %add3A_270 : vector<16xi32>
        tpu.vector_store_idx %arg12[%get3A_257], %add3A_271 masked %unique3A_260 : memref<144xi32, #tpu.memory_space<vmem>>[vector<16xi32>], vector<16xi32>, vector<16xi1>
        %mul3A_272 = arith.constant 144 : i32
        %mul3A_273 = arith.muli %arg1, %mul3A_272 : i32
        "tpu.region"() ({
          %run_scoped3A = tpu.sem_alloc : memref<!tpu.dma_semaphore, #tpu.memory_space<semaphore_mem>>
          %dma_start3A = tpu.memref_slice %arg16[%mul3A_273] : memref<1152xi32, #tpu.memory_space<vmem_shared>> -> memref<144xi32, #tpu.memory_space<vmem_shared>>
          %dma_start3A_274 = tpu.memref_slice %arg16[%mul3A_273] : memref<1152xi32, #tpu.memory_space<vmem_shared>> -> memref<144xi32, #tpu.memory_space<vmem_shared>>
          tpu.enqueue_dma source(%arg12 : memref<144xi32, #tpu.memory_space<vmem>>) target(%dma_start3A_274 : memref<144xi32, #tpu.memory_space<vmem_shared>>) target_semaphore(%run_scoped3A : memref<!tpu.dma_semaphore, #tpu.memory_space<semaphore_mem>>)
          %dma_wait3A = tpu.memref_slice %arg16[%mul3A_273] : memref<1152xi32, #tpu.memory_space<vmem_shared>> -> memref<144xi32, #tpu.memory_space<vmem_shared>>
          %dma_wait3A_275 = tpu.memref_slice %arg16[%mul3A_273] : memref<1152xi32, #tpu.memory_space<vmem_shared>> -> memref<144xi32, #tpu.memory_space<vmem_shared>>
          tpu.wait_dma2 semaphore(%run_scoped3A : memref<!tpu.dma_semaphore, #tpu.memory_space<semaphore_mem>>) src(%arg12 : memref<144xi32, #tpu.memory_space<vmem>>) dst(%dma_wait3A_275 : memref<144xi32, #tpu.memory_space<vmem_shared>>)
          tpu.yield
        }) : () -> ()
      } else {
      }
      "tpu.trace_stop"() : () -> ()
      "tpu.trace_start"() <{level = 10 : i32, message = "ph_xchg"}> : () -> ()
      %barrier3A = arith.constant 0 : index
      tpu.barrier barrier_id(%barrier3A)
      %lt3A_26 = arith.constant 8 : i32
      %lt3A_27 = arith.cmpi slt, %arg1, %lt3A_26 : i32
      %convert_element_type3A_28 = arith.extui %lt3A_27 : i1 to i32
      %cond3A_29 = arith.constant 0 : i32
      %cond3A_30 = arith.cmpi ne, %convert_element_type3A_28, %cond3A_29 : i32
      scf.if %cond3A_30 {
        "tpu.region"() ({
          %run_scoped3A = tpu.sem_alloc : memref<!tpu.dma_semaphore, #tpu.memory_space<semaphore_mem>>
          tpu.enqueue_dma source(%arg16 : memref<1152xi32, #tpu.memory_space<vmem_shared>>) target(%arg15 : memref<1152xi32, #tpu.memory_space<vmem>>) target_semaphore(%run_scoped3A : memref<!tpu.dma_semaphore, #tpu.memory_space<semaphore_mem>>)
          tpu.wait_dma2 semaphore(%run_scoped3A : memref<!tpu.dma_semaphore, #tpu.memory_space<semaphore_mem>>) src(%arg16 : memref<1152xi32, #tpu.memory_space<vmem_shared>>) dst(%arg15 : memref<1152xi32, #tpu.memory_space<vmem>>)
          tpu.yield
        }) : () -> ()
      } else {
      }
      %lt3A_31 = arith.constant 8 : i32
      "tpu.trace_stop"() : () -> ()
      "tpu.trace_start"() <{level = 10 : i32, message = "ph_b"}> : () -> ()
      %lt3A_32 = arith.cmpi slt, %arg1, %lt3A_31 : i32
      %convert_element_type3A_33 = arith.extui %lt3A_32 : i1 to i32
      %cond3A_34 = arith.constant 0 : i32
      %cond3A_35 = arith.cmpi ne, %convert_element_type3A_33, %cond3A_34 : i32
      scf.if %cond3A_35 {
        %scan3A = arith.constant 0 : i32
        %scan3A_52 = arith.constant 8 : i32
        %scan3A_53 = arith.addi %scan3A, %scan3A_52 : i32
        %scan3A_54 = arith.constant 1 : i32
        %scan3A_55:18 = scf.for %scan3A_203 = %scan3A to %scan3A_53 step %scan3A_54 iter_args(%scan3A_204 = %broadcast_in_dim3A_2, %scan3A_205 = %broadcast_in_dim3A_2, %scan3A_206 = %broadcast_in_dim3A_2, %scan3A_207 = %broadcast_in_dim3A_2, %scan3A_208 = %broadcast_in_dim3A_2, %scan3A_209 = %broadcast_in_dim3A_2, %scan3A_210 = %broadcast_in_dim3A_2, %scan3A_211 = %broadcast_in_dim3A_2, %scan3A_212 = %broadcast_in_dim3A_2, %scan3A_213 = %broadcast_in_dim3A_2, %scan3A_214 = %broadcast_in_dim3A_2, %scan3A_215 = %broadcast_in_dim3A_2, %scan3A_216 = %broadcast_in_dim3A_2, %scan3A_217 = %broadcast_in_dim3A_2, %scan3A_218 = %broadcast_in_dim3A_2, %scan3A_219 = %broadcast_in_dim3A_2, %scan3A_220 = %broadcast_in_dim3A_2, %scan3A_221 = %broadcast_in_dim3A_2) -> (vector<16xi32>, vector<16xi32>, vector<16xi32>, vector<16xi32>, vector<16xi32>, vector<16xi32>, vector<16xi32>, vector<16xi32>, vector<16xi32>, vector<16xi32>, vector<16xi32>, vector<16xi32>, vector<16xi32>, vector<16xi32>, vector<16xi32>, vector<16xi32>, vector<16xi32>, vector<16xi32>)  : i32 {
          %lt3A_222 = arith.cmpi slt, %scan3A_203, %arg1 : i32
          %jit3A = arith.constant 1 : i32
          %jit3A_223 = arith.constant 0 : i32
          %select_n3A = arith.select %lt3A_222, %jit3A, %jit3A_223 : i32
          %mul3A_224 = arith.constant 144 : i32
          %mul3A_225 = arith.muli %scan3A_203, %mul3A_224 : i32
          %add3A_226 = arith.constant 0 : i32
          %add3A_227 = arith.addi %mul3A_225, %add3A_226 : i32
          %get3A = arith.index_cast %add3A_227 : i32 to index
          %get3A_228 = tpu.vector_load %arg15[%get3A] {strides = array<i32>} : memref<1152xi32, #tpu.memory_space<vmem>>, vector<16xi32>,
          %add3A_229 = arith.addi %scan3A_204, %get3A_228 : vector<16xi32>
          %mul3A_230 = vector.broadcast %select_n3A : i32 to vector<16xi32>
          %mul3A_231 = arith.muli %get3A_228, %mul3A_230 : vector<16xi32>
          %add3A_232 = arith.addi %scan3A_213, %mul3A_231 : vector<16xi32>
          %mul3A_233 = arith.constant 144 : i32
          %mul3A_234 = arith.muli %scan3A_203, %mul3A_233 : i32
          %add3A_235 = arith.constant 16 : i32
          %add3A_236 = arith.addi %mul3A_234, %add3A_235 : i32
          %get3A_237 = arith.index_cast %add3A_236 : i32 to index
          %get3A_238 = tpu.vector_load %arg15[%get3A_237] {strides = array<i32>} : memref<1152xi32, #tpu.memory_space<vmem>>, vector<16xi32>,
          %add3A_239 = arith.addi %scan3A_205, %get3A_238 : vector<16xi32>
          %mul3A_240 = vector.broadcast %select_n3A : i32 to vector<16xi32>
          %mul3A_241 = arith.muli %get3A_238, %mul3A_240 : vector<16xi32>
          %add3A_242 = arith.addi %scan3A_214, %mul3A_241 : vector<16xi32>
          %mul3A_243 = arith.constant 144 : i32
          %mul3A_244 = arith.muli %scan3A_203, %mul3A_243 : i32
          %add3A_245 = arith.constant 32 : i32
          %add3A_246 = arith.addi %mul3A_244, %add3A_245 : i32
          %get3A_247 = arith.index_cast %add3A_246 : i32 to index
          %get3A_248 = tpu.vector_load %arg15[%get3A_247] {strides = array<i32>} : memref<1152xi32, #tpu.memory_space<vmem>>, vector<16xi32>,
          %add3A_249 = arith.addi %scan3A_206, %get3A_248 : vector<16xi32>
          %mul3A_250 = vector.broadcast %select_n3A : i32 to vector<16xi32>
          %mul3A_251 = arith.muli %get3A_248, %mul3A_250 : vector<16xi32>
          %add3A_252 = arith.addi %scan3A_215, %mul3A_251 : vector<16xi32>
          %mul3A_253 = arith.constant 144 : i32
          %mul3A_254 = arith.muli %scan3A_203, %mul3A_253 : i32
          %add3A_255 = arith.constant 48 : i32
          %add3A_256 = arith.addi %mul3A_254, %add3A_255 : i32
          %get3A_257 = arith.index_cast %add3A_256 : i32 to index
          %get3A_258 = tpu.vector_load %arg15[%get3A_257] {strides = array<i32>} : memref<1152xi32, #tpu.memory_space<vmem>>, vector<16xi32>,
          %add3A_259 = arith.addi %scan3A_207, %get3A_258 : vector<16xi32>
          %mul3A_260 = vector.broadcast %select_n3A : i32 to vector<16xi32>
          %mul3A_261 = arith.muli %get3A_258, %mul3A_260 : vector<16xi32>
          %add3A_262 = arith.addi %scan3A_216, %mul3A_261 : vector<16xi32>
          %mul3A_263 = arith.constant 144 : i32
          %mul3A_264 = arith.muli %scan3A_203, %mul3A_263 : i32
          %add3A_265 = arith.constant 64 : i32
          %add3A_266 = arith.addi %mul3A_264, %add3A_265 : i32
          %get3A_267 = arith.index_cast %add3A_266 : i32 to index
          %get3A_268 = tpu.vector_load %arg15[%get3A_267] {strides = array<i32>} : memref<1152xi32, #tpu.memory_space<vmem>>, vector<16xi32>,
          %add3A_269 = arith.addi %scan3A_208, %get3A_268 : vector<16xi32>
          %mul3A_270 = vector.broadcast %select_n3A : i32 to vector<16xi32>
          %mul3A_271 = arith.muli %get3A_268, %mul3A_270 : vector<16xi32>
          %add3A_272 = arith.addi %scan3A_217, %mul3A_271 : vector<16xi32>
          %mul3A_273 = arith.constant 144 : i32
          %mul3A_274 = arith.muli %scan3A_203, %mul3A_273 : i32
          %add3A_275 = arith.constant 80 : i32
          %add3A_276 = arith.addi %mul3A_274, %add3A_275 : i32
          %get3A_277 = arith.index_cast %add3A_276 : i32 to index
          %get3A_278 = tpu.vector_load %arg15[%get3A_277] {strides = array<i32>} : memref<1152xi32, #tpu.memory_space<vmem>>, vector<16xi32>,
          %add3A_279 = arith.addi %scan3A_209, %get3A_278 : vector<16xi32>
          %mul3A_280 = vector.broadcast %select_n3A : i32 to vector<16xi32>
          %mul3A_281 = arith.muli %get3A_278, %mul3A_280 : vector<16xi32>
          %add3A_282 = arith.addi %scan3A_218, %mul3A_281 : vector<16xi32>
          %mul3A_283 = arith.constant 144 : i32
          %mul3A_284 = arith.muli %scan3A_203, %mul3A_283 : i32
          %add3A_285 = arith.constant 96 : i32
          %add3A_286 = arith.addi %mul3A_284, %add3A_285 : i32
          %get3A_287 = arith.index_cast %add3A_286 : i32 to index
          %get3A_288 = tpu.vector_load %arg15[%get3A_287] {strides = array<i32>} : memref<1152xi32, #tpu.memory_space<vmem>>, vector<16xi32>,
          %add3A_289 = arith.addi %scan3A_210, %get3A_288 : vector<16xi32>
          %mul3A_290 = vector.broadcast %select_n3A : i32 to vector<16xi32>
          %mul3A_291 = arith.muli %get3A_288, %mul3A_290 : vector<16xi32>
          %add3A_292 = arith.addi %scan3A_219, %mul3A_291 : vector<16xi32>
          %mul3A_293 = arith.constant 144 : i32
          %mul3A_294 = arith.muli %scan3A_203, %mul3A_293 : i32
          %add3A_295 = arith.constant 112 : i32
          %add3A_296 = arith.addi %mul3A_294, %add3A_295 : i32
          %get3A_297 = arith.index_cast %add3A_296 : i32 to index
          %get3A_298 = tpu.vector_load %arg15[%get3A_297] {strides = array<i32>} : memref<1152xi32, #tpu.memory_space<vmem>>, vector<16xi32>,
          %add3A_299 = arith.addi %scan3A_211, %get3A_298 : vector<16xi32>
          %mul3A_300 = vector.broadcast %select_n3A : i32 to vector<16xi32>
          %mul3A_301 = arith.muli %get3A_298, %mul3A_300 : vector<16xi32>
          %add3A_302 = arith.addi %scan3A_220, %mul3A_301 : vector<16xi32>
          %mul3A_303 = arith.constant 144 : i32
          %mul3A_304 = arith.muli %scan3A_203, %mul3A_303 : i32
          %add3A_305 = arith.constant 128 : i32
          %add3A_306 = arith.addi %mul3A_304, %add3A_305 : i32
          %get3A_307 = arith.index_cast %add3A_306 : i32 to index
          %get3A_308 = tpu.vector_load %arg15[%get3A_307] {strides = array<i32>} : memref<1152xi32, #tpu.memory_space<vmem>>, vector<16xi32>,
          %add3A_309 = arith.addi %scan3A_212, %get3A_308 : vector<16xi32>
          %mul3A_310 = vector.broadcast %select_n3A : i32 to vector<16xi32>
          %mul3A_311 = arith.muli %get3A_308, %mul3A_310 : vector<16xi32>
          %add3A_312 = arith.addi %scan3A_221, %mul3A_311 : vector<16xi32>
          scf.yield %add3A_229, %add3A_239, %add3A_249, %add3A_259, %add3A_269, %add3A_279, %add3A_289, %add3A_299, %add3A_309, %add3A_232, %add3A_242, %add3A_252, %add3A_262, %add3A_272, %add3A_282, %add3A_292, %add3A_302, %add3A_312 : vector<16xi32>, vector<16xi32>, vector<16xi32>, vector<16xi32>, vector<16xi32>, vector<16xi32>, vector<16xi32>, vector<16xi32>, vector<16xi32>, vector<16xi32>, vector<16xi32>, vector<16xi32>, vector<16xi32>, vector<16xi32>, vector<16xi32>, vector<16xi32>, vector<16xi32>, vector<16xi32>
        }
        %scan3A_56 = arith.constant 8 : i32
        %broadcast_in_dim3A_57 = arith.constant true
        %broadcast_in_dim3A_58 = vector.broadcast %broadcast_in_dim3A_57 : i1 to vector<16xi1>
        %masked_cumsum3A = tpu.scan <sum>, %scan3A_55#0 masked %broadcast_in_dim3A_58 : vector<16xi32>, vector<16xi1> -> vector<16xi32>
        %sub3A = arith.subi %masked_cumsum3A, %scan3A_55#0 : vector<16xi32>
        %add3A = arith.constant 0 : i32
        %add3A_59 = vector.broadcast %add3A : i32 to vector<16xi32>
        %add3A_60 = arith.addi %sub3A, %add3A_59 : vector<16xi32>
        %swap3A = arith.constant 0 : index
        %swap3A_61 = tpu.vector_load %arg14[%swap3A] {strides = array<i32>} : memref<144xi32, #tpu.memory_space<vmem>>, vector<16xi32>,
        tpu.vector_store %arg14[%swap3A], %add3A_60 {strides = array<i32>} : memref<144xi32, #tpu.memory_space<vmem>>, vector<16xi32>,
        %add3A_62 = arith.addi %add3A_60, %scan3A_55#9 : vector<16xi32>
        %swap3A_63 = arith.constant 0 : index
        %swap3A_64 = tpu.vector_load %arg13[%swap3A_63] {strides = array<i32>} : memref<144xi32, #tpu.memory_space<vmem>>, vector<16xi32>,
        tpu.vector_store %arg13[%swap3A_63], %add3A_62 {strides = array<i32>} : memref<144xi32, #tpu.memory_space<vmem>>, vector<16xi32>,
        %reduce_sum3A = arith.constant true
        %reduce_sum3A_65 = vector.broadcast %reduce_sum3A : i1 to vector<16xi1>
        %reduce_sum3A_66 = tpu.scan <sum>, %scan3A_55#0 masked %reduce_sum3A_65 : vector<16xi32>, vector<16xi1> -> vector<16xi32>
        %reduce_sum3A_67 = vector.extract %reduce_sum3A_66[15] : i32 from vector<16xi32>
        %add3A_68 = arith.constant 0 : i32
        %add3A_69 = arith.addi %add3A_68, %reduce_sum3A_67 : i32
        %broadcast_in_dim3A_70 = arith.constant true
        %broadcast_in_dim3A_71 = vector.broadcast %broadcast_in_dim3A_70 : i1 to vector<16xi1>
        %masked_cumsum3A_72 = tpu.scan <sum>, %scan3A_55#1 masked %broadcast_in_dim3A_71 : vector<16xi32>, vector<16xi1> -> vector<16xi32>
        %sub3A_73 = arith.subi %masked_cumsum3A_72, %scan3A_55#1 : vector<16xi32>
        %add3A_74 = vector.broadcast %add3A_69 : i32 to vector<16xi32>
        %add3A_75 = arith.addi %sub3A_73, %add3A_74 : vector<16xi32>
        %swap3A_76 = arith.constant 16 : index
        %swap3A_77 = tpu.vector_load %arg14[%swap3A_76] {strides = array<i32>} : memref<144xi32, #tpu.memory_space<vmem>>, vector<16xi32>,
        tpu.vector_store %arg14[%swap3A_76], %add3A_75 {strides = array<i32>} : memref<144xi32, #tpu.memory_space<vmem>>, vector<16xi32>,
        %add3A_78 = arith.addi %add3A_75, %scan3A_55#10 : vector<16xi32>
        %swap3A_79 = arith.constant 16 : index
        %swap3A_80 = tpu.vector_load %arg13[%swap3A_79] {strides = array<i32>} : memref<144xi32, #tpu.memory_space<vmem>>, vector<16xi32>,
        tpu.vector_store %arg13[%swap3A_79], %add3A_78 {strides = array<i32>} : memref<144xi32, #tpu.memory_space<vmem>>, vector<16xi32>,
        %reduce_sum3A_81 = arith.constant true
        %reduce_sum3A_82 = vector.broadcast %reduce_sum3A_81 : i1 to vector<16xi1>
        %reduce_sum3A_83 = tpu.scan <sum>, %scan3A_55#1 masked %reduce_sum3A_82 : vector<16xi32>, vector<16xi1> -> vector<16xi32>
        %reduce_sum3A_84 = vector.extract %reduce_sum3A_83[15] : i32 from vector<16xi32>
        %add3A_85 = arith.addi %add3A_69, %reduce_sum3A_84 : i32
        %broadcast_in_dim3A_86 = arith.constant true
        %broadcast_in_dim3A_87 = vector.broadcast %broadcast_in_dim3A_86 : i1 to vector<16xi1>
        %masked_cumsum3A_88 = tpu.scan <sum>, %scan3A_55#2 masked %broadcast_in_dim3A_87 : vector<16xi32>, vector<16xi1> -> vector<16xi32>
        %sub3A_89 = arith.subi %masked_cumsum3A_88, %scan3A_55#2 : vector<16xi32>
        %add3A_90 = vector.broadcast %add3A_85 : i32 to vector<16xi32>
        %add3A_91 = arith.addi %sub3A_89, %add3A_90 : vector<16xi32>
        %swap3A_92 = arith.constant 32 : index
        %swap3A_93 = tpu.vector_load %arg14[%swap3A_92] {strides = array<i32>} : memref<144xi32, #tpu.memory_space<vmem>>, vector<16xi32>,
        tpu.vector_store %arg14[%swap3A_92], %add3A_91 {strides = array<i32>} : memref<144xi32, #tpu.memory_space<vmem>>, vector<16xi32>,
        %add3A_94 = arith.addi %add3A_91, %scan3A_55#11 : vector<16xi32>
        %swap3A_95 = arith.constant 32 : index
        %swap3A_96 = tpu.vector_load %arg13[%swap3A_95] {strides = array<i32>} : memref<144xi32, #tpu.memory_space<vmem>>, vector<16xi32>,
        tpu.vector_store %arg13[%swap3A_95], %add3A_94 {strides = array<i32>} : memref<144xi32, #tpu.memory_space<vmem>>, vector<16xi32>,
        %reduce_sum3A_97 = arith.constant true
        %reduce_sum3A_98 = vector.broadcast %reduce_sum3A_97 : i1 to vector<16xi1>
        %reduce_sum3A_99 = tpu.scan <sum>, %scan3A_55#2 masked %reduce_sum3A_98 : vector<16xi32>, vector<16xi1> -> vector<16xi32>
        %reduce_sum3A_100 = vector.extract %reduce_sum3A_99[15] : i32 from vector<16xi32>
        %add3A_101 = arith.addi %add3A_85, %reduce_sum3A_100 : i32
        %broadcast_in_dim3A_102 = arith.constant true
        %broadcast_in_dim3A_103 = vector.broadcast %broadcast_in_dim3A_102 : i1 to vector<16xi1>
        %masked_cumsum3A_104 = tpu.scan <sum>, %scan3A_55#3 masked %broadcast_in_dim3A_103 : vector<16xi32>, vector<16xi1> -> vector<16xi32>
        %sub3A_105 = arith.subi %masked_cumsum3A_104, %scan3A_55#3 : vector<16xi32>
        %add3A_106 = vector.broadcast %add3A_101 : i32 to vector<16xi32>
        %add3A_107 = arith.addi %sub3A_105, %add3A_106 : vector<16xi32>
        %swap3A_108 = arith.constant 48 : index
        %swap3A_109 = tpu.vector_load %arg14[%swap3A_108] {strides = array<i32>} : memref<144xi32, #tpu.memory_space<vmem>>, vector<16xi32>,
        tpu.vector_store %arg14[%swap3A_108], %add3A_107 {strides = array<i32>} : memref<144xi32, #tpu.memory_space<vmem>>, vector<16xi32>,
        %add3A_110 = arith.addi %add3A_107, %scan3A_55#12 : vector<16xi32>
        %swap3A_111 = arith.constant 48 : index
        %swap3A_112 = tpu.vector_load %arg13[%swap3A_111] {strides = array<i32>} : memref<144xi32, #tpu.memory_space<vmem>>, vector<16xi32>,
        tpu.vector_store %arg13[%swap3A_111], %add3A_110 {strides = array<i32>} : memref<144xi32, #tpu.memory_space<vmem>>, vector<16xi32>,
        %reduce_sum3A_113 = arith.constant true
        %reduce_sum3A_114 = vector.broadcast %reduce_sum3A_113 : i1 to vector<16xi1>
        %reduce_sum3A_115 = tpu.scan <sum>, %scan3A_55#3 masked %reduce_sum3A_114 : vector<16xi32>, vector<16xi1> -> vector<16xi32>
        %reduce_sum3A_116 = vector.extract %reduce_sum3A_115[15] : i32 from vector<16xi32>
        %add3A_117 = arith.addi %add3A_101, %reduce_sum3A_116 : i32
        %broadcast_in_dim3A_118 = arith.constant true
        %broadcast_in_dim3A_119 = vector.broadcast %broadcast_in_dim3A_118 : i1 to vector<16xi1>
        %masked_cumsum3A_120 = tpu.scan <sum>, %scan3A_55#4 masked %broadcast_in_dim3A_119 : vector<16xi32>, vector<16xi1> -> vector<16xi32>
        %sub3A_121 = arith.subi %masked_cumsum3A_120, %scan3A_55#4 : vector<16xi32>
        %add3A_122 = vector.broadcast %add3A_117 : i32 to vector<16xi32>
        %add3A_123 = arith.addi %sub3A_121, %add3A_122 : vector<16xi32>
        %swap3A_124 = arith.constant 64 : index
        %swap3A_125 = tpu.vector_load %arg14[%swap3A_124] {strides = array<i32>} : memref<144xi32, #tpu.memory_space<vmem>>, vector<16xi32>,
        tpu.vector_store %arg14[%swap3A_124], %add3A_123 {strides = array<i32>} : memref<144xi32, #tpu.memory_space<vmem>>, vector<16xi32>,
        %add3A_126 = arith.addi %add3A_123, %scan3A_55#13 : vector<16xi32>
        %swap3A_127 = arith.constant 64 : index
        %swap3A_128 = tpu.vector_load %arg13[%swap3A_127] {strides = array<i32>} : memref<144xi32, #tpu.memory_space<vmem>>, vector<16xi32>,
        tpu.vector_store %arg13[%swap3A_127], %add3A_126 {strides = array<i32>} : memref<144xi32, #tpu.memory_space<vmem>>, vector<16xi32>,
        %reduce_sum3A_129 = arith.constant true
        %reduce_sum3A_130 = vector.broadcast %reduce_sum3A_129 : i1 to vector<16xi1>
        %reduce_sum3A_131 = tpu.scan <sum>, %scan3A_55#4 masked %reduce_sum3A_130 : vector<16xi32>, vector<16xi1> -> vector<16xi32>
        %reduce_sum3A_132 = vector.extract %reduce_sum3A_131[15] : i32 from vector<16xi32>
        %add3A_133 = arith.addi %add3A_117, %reduce_sum3A_132 : i32
        %broadcast_in_dim3A_134 = arith.constant true
        %broadcast_in_dim3A_135 = vector.broadcast %broadcast_in_dim3A_134 : i1 to vector<16xi1>
        %masked_cumsum3A_136 = tpu.scan <sum>, %scan3A_55#5 masked %broadcast_in_dim3A_135 : vector<16xi32>, vector<16xi1> -> vector<16xi32>
        %sub3A_137 = arith.subi %masked_cumsum3A_136, %scan3A_55#5 : vector<16xi32>
        %add3A_138 = vector.broadcast %add3A_133 : i32 to vector<16xi32>
        %add3A_139 = arith.addi %sub3A_137, %add3A_138 : vector<16xi32>
        %swap3A_140 = arith.constant 80 : index
        %swap3A_141 = tpu.vector_load %arg14[%swap3A_140] {strides = array<i32>} : memref<144xi32, #tpu.memory_space<vmem>>, vector<16xi32>,
        tpu.vector_store %arg14[%swap3A_140], %add3A_139 {strides = array<i32>} : memref<144xi32, #tpu.memory_space<vmem>>, vector<16xi32>,
        %add3A_142 = arith.addi %add3A_139, %scan3A_55#14 : vector<16xi32>
        %swap3A_143 = arith.constant 80 : index
        %swap3A_144 = tpu.vector_load %arg13[%swap3A_143] {strides = array<i32>} : memref<144xi32, #tpu.memory_space<vmem>>, vector<16xi32>,
        tpu.vector_store %arg13[%swap3A_143], %add3A_142 {strides = array<i32>} : memref<144xi32, #tpu.memory_space<vmem>>, vector<16xi32>,
        %reduce_sum3A_145 = arith.constant true
        %reduce_sum3A_146 = vector.broadcast %reduce_sum3A_145 : i1 to vector<16xi1>
        %reduce_sum3A_147 = tpu.scan <sum>, %scan3A_55#5 masked %reduce_sum3A_146 : vector<16xi32>, vector<16xi1> -> vector<16xi32>
        %reduce_sum3A_148 = vector.extract %reduce_sum3A_147[15] : i32 from vector<16xi32>
        %add3A_149 = arith.addi %add3A_133, %reduce_sum3A_148 : i32
        %broadcast_in_dim3A_150 = arith.constant true
        %broadcast_in_dim3A_151 = vector.broadcast %broadcast_in_dim3A_150 : i1 to vector<16xi1>
        %masked_cumsum3A_152 = tpu.scan <sum>, %scan3A_55#6 masked %broadcast_in_dim3A_151 : vector<16xi32>, vector<16xi1> -> vector<16xi32>
        %sub3A_153 = arith.subi %masked_cumsum3A_152, %scan3A_55#6 : vector<16xi32>
        %add3A_154 = vector.broadcast %add3A_149 : i32 to vector<16xi32>
        %add3A_155 = arith.addi %sub3A_153, %add3A_154 : vector<16xi32>
        %swap3A_156 = arith.constant 96 : index
        %swap3A_157 = tpu.vector_load %arg14[%swap3A_156] {strides = array<i32>} : memref<144xi32, #tpu.memory_space<vmem>>, vector<16xi32>,
        tpu.vector_store %arg14[%swap3A_156], %add3A_155 {strides = array<i32>} : memref<144xi32, #tpu.memory_space<vmem>>, vector<16xi32>,
        %add3A_158 = arith.addi %add3A_155, %scan3A_55#15 : vector<16xi32>
        %swap3A_159 = arith.constant 96 : index
        %swap3A_160 = tpu.vector_load %arg13[%swap3A_159] {strides = array<i32>} : memref<144xi32, #tpu.memory_space<vmem>>, vector<16xi32>,
        tpu.vector_store %arg13[%swap3A_159], %add3A_158 {strides = array<i32>} : memref<144xi32, #tpu.memory_space<vmem>>, vector<16xi32>,
        %reduce_sum3A_161 = arith.constant true
        %reduce_sum3A_162 = vector.broadcast %reduce_sum3A_161 : i1 to vector<16xi1>
        %reduce_sum3A_163 = tpu.scan <sum>, %scan3A_55#6 masked %reduce_sum3A_162 : vector<16xi32>, vector<16xi1> -> vector<16xi32>
        %reduce_sum3A_164 = vector.extract %reduce_sum3A_163[15] : i32 from vector<16xi32>
        %add3A_165 = arith.addi %add3A_149, %reduce_sum3A_164 : i32
        %broadcast_in_dim3A_166 = arith.constant true
        %broadcast_in_dim3A_167 = vector.broadcast %broadcast_in_dim3A_166 : i1 to vector<16xi1>
        %masked_cumsum3A_168 = tpu.scan <sum>, %scan3A_55#7 masked %broadcast_in_dim3A_167 : vector<16xi32>, vector<16xi1> -> vector<16xi32>
        %sub3A_169 = arith.subi %masked_cumsum3A_168, %scan3A_55#7 : vector<16xi32>
        %add3A_170 = vector.broadcast %add3A_165 : i32 to vector<16xi32>
        %add3A_171 = arith.addi %sub3A_169, %add3A_170 : vector<16xi32>
        %swap3A_172 = arith.constant 112 : index
        %swap3A_173 = tpu.vector_load %arg14[%swap3A_172] {strides = array<i32>} : memref<144xi32, #tpu.memory_space<vmem>>, vector<16xi32>,
        tpu.vector_store %arg14[%swap3A_172], %add3A_171 {strides = array<i32>} : memref<144xi32, #tpu.memory_space<vmem>>, vector<16xi32>,
        %add3A_174 = arith.addi %add3A_171, %scan3A_55#16 : vector<16xi32>
        %swap3A_175 = arith.constant 112 : index
        %swap3A_176 = tpu.vector_load %arg13[%swap3A_175] {strides = array<i32>} : memref<144xi32, #tpu.memory_space<vmem>>, vector<16xi32>,
        tpu.vector_store %arg13[%swap3A_175], %add3A_174 {strides = array<i32>} : memref<144xi32, #tpu.memory_space<vmem>>, vector<16xi32>,
        %reduce_sum3A_177 = arith.constant true
        %reduce_sum3A_178 = vector.broadcast %reduce_sum3A_177 : i1 to vector<16xi1>
        %reduce_sum3A_179 = tpu.scan <sum>, %scan3A_55#7 masked %reduce_sum3A_178 : vector<16xi32>, vector<16xi1> -> vector<16xi32>
        %reduce_sum3A_180 = vector.extract %reduce_sum3A_179[15] : i32 from vector<16xi32>
        %add3A_181 = arith.addi %add3A_165, %reduce_sum3A_180 : i32
        %broadcast_in_dim3A_182 = arith.constant true
        %broadcast_in_dim3A_183 = vector.broadcast %broadcast_in_dim3A_182 : i1 to vector<16xi1>
        %masked_cumsum3A_184 = tpu.scan <sum>, %scan3A_55#8 masked %broadcast_in_dim3A_183 : vector<16xi32>, vector<16xi1> -> vector<16xi32>
        %sub3A_185 = arith.subi %masked_cumsum3A_184, %scan3A_55#8 : vector<16xi32>
        %add3A_186 = vector.broadcast %add3A_181 : i32 to vector<16xi32>
        %add3A_187 = arith.addi %sub3A_185, %add3A_186 : vector<16xi32>
        %swap3A_188 = arith.constant 128 : index
        %swap3A_189 = tpu.vector_load %arg14[%swap3A_188] {strides = array<i32>} : memref<144xi32, #tpu.memory_space<vmem>>, vector<16xi32>,
        tpu.vector_store %arg14[%swap3A_188], %add3A_187 {strides = array<i32>} : memref<144xi32, #tpu.memory_space<vmem>>, vector<16xi32>,
        %add3A_190 = arith.addi %add3A_187, %scan3A_55#17 : vector<16xi32>
        %swap3A_191 = arith.constant 128 : index
        %swap3A_192 = tpu.vector_load %arg13[%swap3A_191] {strides = array<i32>} : memref<144xi32, #tpu.memory_space<vmem>>, vector<16xi32>,
        tpu.vector_store %arg13[%swap3A_191], %add3A_190 {strides = array<i32>} : memref<144xi32, #tpu.memory_space<vmem>>, vector<16xi32>,
        %reduce_sum3A_193 = arith.constant true
        %reduce_sum3A_194 = vector.broadcast %reduce_sum3A_193 : i1 to vector<16xi1>
        %reduce_sum3A_195 = tpu.scan <sum>, %scan3A_55#8 masked %reduce_sum3A_194 : vector<16xi32>, vector<16xi1> -> vector<16xi32>
        %reduce_sum3A_196 = vector.extract %reduce_sum3A_195[15] : i32 from vector<16xi32>
        %add3A_197 = arith.addi %add3A_181, %reduce_sum3A_196 : i32
        %eq3A_198 = arith.constant 0 : i32
        %eq3A_199 = arith.cmpi eq, %arg1, %eq3A_198 : i32
        %convert_element_type3A_200 = arith.extui %eq3A_199 : i1 to i32
        %cond3A_201 = arith.constant 0 : i32
        %cond3A_202 = arith.cmpi ne, %convert_element_type3A_200, %cond3A_201 : i32
        scf.if %cond3A_202 {
          "tpu.region"() ({
            %run_scoped3A = tpu.sem_alloc : memref<!tpu.dma_semaphore, #tpu.memory_space<semaphore_mem>>
            %dma_start3A = arith.constant 0 : i32
            %dma_start3A_203 = tpu.memref_slice %arg14[%dma_start3A] : memref<144xi32, #tpu.memory_space<vmem>> -> memref<129xi32, #tpu.memory_space<vmem>>
            %dma_start3A_204 = arith.constant 0 : i32
            %dma_start3A_205 = tpu.memref_slice %arg14[%dma_start3A_204] : memref<144xi32, #tpu.memory_space<vmem>> -> memref<129xi32, #tpu.memory_space<vmem>>
            tpu.enqueue_dma source(%dma_start3A_205 : memref<129xi32, #tpu.memory_space<vmem>>) target(%arg6 : memref<129xi32, #tpu.memory_space<hbm>>) target_semaphore(%run_scoped3A : memref<!tpu.dma_semaphore, #tpu.memory_space<semaphore_mem>>)
            %dma_wait3A = arith.constant 0 : i32
            %dma_wait3A_206 = tpu.memref_slice %arg14[%dma_wait3A] : memref<144xi32, #tpu.memory_space<vmem>> -> memref<129xi32, #tpu.memory_space<vmem>>
            %dma_wait3A_207 = arith.constant 0 : i32
            %dma_wait3A_208 = tpu.memref_slice %arg14[%dma_wait3A_207] : memref<144xi32, #tpu.memory_space<vmem>> -> memref<129xi32, #tpu.memory_space<vmem>>
            tpu.wait_dma2 semaphore(%run_scoped3A : memref<!tpu.dma_semaphore, #tpu.memory_space<semaphore_mem>>) src(%dma_wait3A_208 : memref<129xi32, #tpu.memory_space<vmem>>) dst(%arg6 : memref<129xi32, #tpu.memory_space<hbm>>)
            tpu.yield
          }) : () -> ()
        } else {
        }
      } else {
      }
      %lt3A_36 = arith.constant 8 : i32
      "tpu.trace_stop"() : () -> ()
      "tpu.trace_start"() <{level = 10 : i32, message = "ph_c"}> : () -> ()
      %lt3A_37 = arith.cmpi slt, %arg1, %lt3A_36 : i32
      %convert_element_type3A_38 = arith.extui %lt3A_37 : i1 to i32
      %cond3A_39 = arith.constant 0 : i32
      %cond3A_40 = arith.cmpi ne, %convert_element_type3A_38, %cond3A_39 : i32
      scf.if %cond3A_40 {
        %get3A = arith.constant 0 : index
        %get3A_52 = tpu.vector_load %arg7[%get3A] {strides = array<i32>} : memref<208xi32, #tpu.memory_space<vmem>>, vector<16xi32>,
        %gather3A = tpu.vector_load_idx %arg13[%get3A_52] : memref<144xi32, #tpu.memory_space<vmem>>[vector<16xi32>], vector<16xi32>,
        %get3A_53 = arith.constant 0 : index
        %get3A_54 = tpu.vector_load %arg9[%get3A_53] {strides = array<i32>} : memref<208xi32, #tpu.memory_space<vmem>>, vector<16xi32>,
        %add3A = arith.addi %gather3A, %get3A_54 : vector<16xi32>
        %swap3A = arith.constant 0 : index
        %swap3A_55 = tpu.vector_load %arg10[%swap3A] {strides = array<i32>} : memref<208xi32, #tpu.memory_space<vmem>>, vector<16xi32>,
        tpu.vector_store %arg10[%swap3A], %add3A {strides = array<i32>} : memref<208xi32, #tpu.memory_space<vmem>>, vector<16xi32>,
        %add3A_56 = arith.constant 0 : i32
        %add3A_57 = arith.addi %mul3A_5, %add3A_56 : i32
        %add3A_58 = vector.broadcast %add3A_57 : i32 to vector<16xi32>
        %add3A_59 = arith.addi %add3A_58, %iota3A : vector<16xi32>
        %swap3A_60 = arith.constant 0 : index
        %swap3A_61 = tpu.vector_load %arg11[%swap3A_60] {strides = array<i32>} : memref<208xi32, #tpu.memory_space<vmem>>, vector<16xi32>,
        tpu.vector_store %arg11[%swap3A_60], %add3A_59 {strides = array<i32>} : memref<208xi32, #tpu.memory_space<vmem>>, vector<16xi32>,
        %get3A_62 = arith.constant 16 : index
        %get3A_63 = tpu.vector_load %arg7[%get3A_62] {strides = array<i32>} : memref<208xi32, #tpu.memory_space<vmem>>, vector<16xi32>,
        %gather3A_64 = tpu.vector_load_idx %arg13[%get3A_63] : memref<144xi32, #tpu.memory_space<vmem>>[vector<16xi32>], vector<16xi32>,
        %get3A_65 = arith.constant 16 : index
        %get3A_66 = tpu.vector_load %arg9[%get3A_65] {strides = array<i32>} : memref<208xi32, #tpu.memory_space<vmem>>, vector<16xi32>,
        %add3A_67 = arith.addi %gather3A_64, %get3A_66 : vector<16xi32>
        %swap3A_68 = arith.constant 16 : index
        %swap3A_69 = tpu.vector_load %arg10[%swap3A_68] {strides = array<i32>} : memref<208xi32, #tpu.memory_space<vmem>>, vector<16xi32>,
        tpu.vector_store %arg10[%swap3A_68], %add3A_67 {strides = array<i32>} : memref<208xi32, #tpu.memory_space<vmem>>, vector<16xi32>,
        %add3A_70 = arith.constant 16 : i32
        %add3A_71 = arith.addi %mul3A_5, %add3A_70 : i32
        %add3A_72 = vector.broadcast %add3A_71 : i32 to vector<16xi32>
        %add3A_73 = arith.addi %add3A_72, %iota3A : vector<16xi32>
        %swap3A_74 = arith.constant 16 : index
        %swap3A_75 = tpu.vector_load %arg11[%swap3A_74] {strides = array<i32>} : memref<208xi32, #tpu.memory_space<vmem>>, vector<16xi32>,
        tpu.vector_store %arg11[%swap3A_74], %add3A_73 {strides = array<i32>} : memref<208xi32, #tpu.memory_space<vmem>>, vector<16xi32>,
        %get3A_76 = arith.constant 32 : index
        %get3A_77 = tpu.vector_load %arg7[%get3A_76] {strides = array<i32>} : memref<208xi32, #tpu.memory_space<vmem>>, vector<16xi32>,
        %gather3A_78 = tpu.vector_load_idx %arg13[%get3A_77] : memref<144xi32, #tpu.memory_space<vmem>>[vector<16xi32>], vector<16xi32>,
        %get3A_79 = arith.constant 32 : index
        %get3A_80 = tpu.vector_load %arg9[%get3A_79] {strides = array<i32>} : memref<208xi32, #tpu.memory_space<vmem>>, vector<16xi32>,
        %add3A_81 = arith.addi %gather3A_78, %get3A_80 : vector<16xi32>
        %swap3A_82 = arith.constant 32 : index
        %swap3A_83 = tpu.vector_load %arg10[%swap3A_82] {strides = array<i32>} : memref<208xi32, #tpu.memory_space<vmem>>, vector<16xi32>,
        tpu.vector_store %arg10[%swap3A_82], %add3A_81 {strides = array<i32>} : memref<208xi32, #tpu.memory_space<vmem>>, vector<16xi32>,
        %add3A_84 = arith.constant 32 : i32
        %add3A_85 = arith.addi %mul3A_5, %add3A_84 : i32
        %add3A_86 = vector.broadcast %add3A_85 : i32 to vector<16xi32>
        %add3A_87 = arith.addi %add3A_86, %iota3A : vector<16xi32>
        %swap3A_88 = arith.constant 32 : index
        %swap3A_89 = tpu.vector_load %arg11[%swap3A_88] {strides = array<i32>} : memref<208xi32, #tpu.memory_space<vmem>>, vector<16xi32>,
        tpu.vector_store %arg11[%swap3A_88], %add3A_87 {strides = array<i32>} : memref<208xi32, #tpu.memory_space<vmem>>, vector<16xi32>,
        %get3A_90 = arith.constant 48 : index
        %get3A_91 = tpu.vector_load %arg7[%get3A_90] {strides = array<i32>} : memref<208xi32, #tpu.memory_space<vmem>>, vector<16xi32>,
        %gather3A_92 = tpu.vector_load_idx %arg13[%get3A_91] : memref<144xi32, #tpu.memory_space<vmem>>[vector<16xi32>], vector<16xi32>,
        %get3A_93 = arith.constant 48 : index
        %get3A_94 = tpu.vector_load %arg9[%get3A_93] {strides = array<i32>} : memref<208xi32, #tpu.memory_space<vmem>>, vector<16xi32>,
        %add3A_95 = arith.addi %gather3A_92, %get3A_94 : vector<16xi32>
        %swap3A_96 = arith.constant 48 : index
        %swap3A_97 = tpu.vector_load %arg10[%swap3A_96] {strides = array<i32>} : memref<208xi32, #tpu.memory_space<vmem>>, vector<16xi32>,
        tpu.vector_store %arg10[%swap3A_96], %add3A_95 {strides = array<i32>} : memref<208xi32, #tpu.memory_space<vmem>>, vector<16xi32>,
        %add3A_98 = arith.constant 48 : i32
        %add3A_99 = arith.addi %mul3A_5, %add3A_98 : i32
        %add3A_100 = vector.broadcast %add3A_99 : i32 to vector<16xi32>
        %add3A_101 = arith.addi %add3A_100, %iota3A : vector<16xi32>
        %swap3A_102 = arith.constant 48 : index
        %swap3A_103 = tpu.vector_load %arg11[%swap3A_102] {strides = array<i32>} : memref<208xi32, #tpu.memory_space<vmem>>, vector<16xi32>,
        tpu.vector_store %arg11[%swap3A_102], %add3A_101 {strides = array<i32>} : memref<208xi32, #tpu.memory_space<vmem>>, vector<16xi32>,
        %get3A_104 = arith.constant 64 : index
        %get3A_105 = tpu.vector_load %arg7[%get3A_104] {strides = array<i32>} : memref<208xi32, #tpu.memory_space<vmem>>, vector<16xi32>,
        %gather3A_106 = tpu.vector_load_idx %arg13[%get3A_105] : memref<144xi32, #tpu.memory_space<vmem>>[vector<16xi32>], vector<16xi32>,
        %get3A_107 = arith.constant 64 : index
        %get3A_108 = tpu.vector_load %arg9[%get3A_107] {strides = array<i32>} : memref<208xi32, #tpu.memory_space<vmem>>, vector<16xi32>,
        %add3A_109 = arith.addi %gather3A_106, %get3A_108 : vector<16xi32>
        %swap3A_110 = arith.constant 64 : index
        %swap3A_111 = tpu.vector_load %arg10[%swap3A_110] {strides = array<i32>} : memref<208xi32, #tpu.memory_space<vmem>>, vector<16xi32>,
        tpu.vector_store %arg10[%swap3A_110], %add3A_109 {strides = array<i32>} : memref<208xi32, #tpu.memory_space<vmem>>, vector<16xi32>,
        %add3A_112 = arith.constant 64 : i32
        %add3A_113 = arith.addi %mul3A_5, %add3A_112 : i32
        %add3A_114 = vector.broadcast %add3A_113 : i32 to vector<16xi32>
        %add3A_115 = arith.addi %add3A_114, %iota3A : vector<16xi32>
        %swap3A_116 = arith.constant 64 : index
        %swap3A_117 = tpu.vector_load %arg11[%swap3A_116] {strides = array<i32>} : memref<208xi32, #tpu.memory_space<vmem>>, vector<16xi32>,
        tpu.vector_store %arg11[%swap3A_116], %add3A_115 {strides = array<i32>} : memref<208xi32, #tpu.memory_space<vmem>>, vector<16xi32>,
        %get3A_118 = arith.constant 80 : index
        %get3A_119 = tpu.vector_load %arg7[%get3A_118] {strides = array<i32>} : memref<208xi32, #tpu.memory_space<vmem>>, vector<16xi32>,
        %gather3A_120 = tpu.vector_load_idx %arg13[%get3A_119] : memref<144xi32, #tpu.memory_space<vmem>>[vector<16xi32>], vector<16xi32>,
        %get3A_121 = arith.constant 80 : index
        %get3A_122 = tpu.vector_load %arg9[%get3A_121] {strides = array<i32>} : memref<208xi32, #tpu.memory_space<vmem>>, vector<16xi32>,
        %add3A_123 = arith.addi %gather3A_120, %get3A_122 : vector<16xi32>
        %swap3A_124 = arith.constant 80 : index
        %swap3A_125 = tpu.vector_load %arg10[%swap3A_124] {strides = array<i32>} : memref<208xi32, #tpu.memory_space<vmem>>, vector<16xi32>,
        tpu.vector_store %arg10[%swap3A_124], %add3A_123 {strides = array<i32>} : memref<208xi32, #tpu.memory_space<vmem>>, vector<16xi32>,
        %add3A_126 = arith.constant 80 : i32
        %add3A_127 = arith.addi %mul3A_5, %add3A_126 : i32
        %add3A_128 = vector.broadcast %add3A_127 : i32 to vector<16xi32>
        %add3A_129 = arith.addi %add3A_128, %iota3A : vector<16xi32>
        %swap3A_130 = arith.constant 80 : index
        %swap3A_131 = tpu.vector_load %arg11[%swap3A_130] {strides = array<i32>} : memref<208xi32, #tpu.memory_space<vmem>>, vector<16xi32>,
        tpu.vector_store %arg11[%swap3A_130], %add3A_129 {strides = array<i32>} : memref<208xi32, #tpu.memory_space<vmem>>, vector<16xi32>,
        %get3A_132 = arith.constant 96 : index
        %get3A_133 = tpu.vector_load %arg7[%get3A_132] {strides = array<i32>} : memref<208xi32, #tpu.memory_space<vmem>>, vector<16xi32>,
        %gather3A_134 = tpu.vector_load_idx %arg13[%get3A_133] : memref<144xi32, #tpu.memory_space<vmem>>[vector<16xi32>], vector<16xi32>,
        %get3A_135 = arith.constant 96 : index
        %get3A_136 = tpu.vector_load %arg9[%get3A_135] {strides = array<i32>} : memref<208xi32, #tpu.memory_space<vmem>>, vector<16xi32>,
        %add3A_137 = arith.addi %gather3A_134, %get3A_136 : vector<16xi32>
        %swap3A_138 = arith.constant 96 : index
        %swap3A_139 = tpu.vector_load %arg10[%swap3A_138] {strides = array<i32>} : memref<208xi32, #tpu.memory_space<vmem>>, vector<16xi32>,
        tpu.vector_store %arg10[%swap3A_138], %add3A_137 {strides = array<i32>} : memref<208xi32, #tpu.memory_space<vmem>>, vector<16xi32>,
        %add3A_140 = arith.constant 96 : i32
        %add3A_141 = arith.addi %mul3A_5, %add3A_140 : i32
        %add3A_142 = vector.broadcast %add3A_141 : i32 to vector<16xi32>
        %add3A_143 = arith.addi %add3A_142, %iota3A : vector<16xi32>
        %swap3A_144 = arith.constant 96 : index
        %swap3A_145 = tpu.vector_load %arg11[%swap3A_144] {strides = array<i32>} : memref<208xi32, #tpu.memory_space<vmem>>, vector<16xi32>,
        tpu.vector_store %arg11[%swap3A_144], %add3A_143 {strides = array<i32>} : memref<208xi32, #tpu.memory_space<vmem>>, vector<16xi32>,
        %get3A_146 = arith.constant 112 : index
        %get3A_147 = tpu.vector_load %arg7[%get3A_146] {strides = array<i32>} : memref<208xi32, #tpu.memory_space<vmem>>, vector<16xi32>,
        %gather3A_148 = tpu.vector_load_idx %arg13[%get3A_147] : memref<144xi32, #tpu.memory_space<vmem>>[vector<16xi32>], vector<16xi32>,
        %get3A_149 = arith.constant 112 : index
        %get3A_150 = tpu.vector_load %arg9[%get3A_149] {strides = array<i32>} : memref<208xi32, #tpu.memory_space<vmem>>, vector<16xi32>,
        %add3A_151 = arith.addi %gather3A_148, %get3A_150 : vector<16xi32>
        %swap3A_152 = arith.constant 112 : index
        %swap3A_153 = tpu.vector_load %arg10[%swap3A_152] {strides = array<i32>} : memref<208xi32, #tpu.memory_space<vmem>>, vector<16xi32>,
        tpu.vector_store %arg10[%swap3A_152], %add3A_151 {strides = array<i32>} : memref<208xi32, #tpu.memory_space<vmem>>, vector<16xi32>,
        %add3A_154 = arith.constant 112 : i32
        %add3A_155 = arith.addi %mul3A_5, %add3A_154 : i32
        %add3A_156 = vector.broadcast %add3A_155 : i32 to vector<16xi32>
        %add3A_157 = arith.addi %add3A_156, %iota3A : vector<16xi32>
        %swap3A_158 = arith.constant 112 : index
        %swap3A_159 = tpu.vector_load %arg11[%swap3A_158] {strides = array<i32>} : memref<208xi32, #tpu.memory_space<vmem>>, vector<16xi32>,
        tpu.vector_store %arg11[%swap3A_158], %add3A_157 {strides = array<i32>} : memref<208xi32, #tpu.memory_space<vmem>>, vector<16xi32>,
        %get3A_160 = arith.constant 128 : index
        %get3A_161 = tpu.vector_load %arg7[%get3A_160] {strides = array<i32>} : memref<208xi32, #tpu.memory_space<vmem>>, vector<16xi32>,
        %gather3A_162 = tpu.vector_load_idx %arg13[%get3A_161] : memref<144xi32, #tpu.memory_space<vmem>>[vector<16xi32>], vector<16xi32>,
        %get3A_163 = arith.constant 128 : index
        %get3A_164 = tpu.vector_load %arg9[%get3A_163] {strides = array<i32>} : memref<208xi32, #tpu.memory_space<vmem>>, vector<16xi32>,
        %add3A_165 = arith.addi %gather3A_162, %get3A_164 : vector<16xi32>
        %swap3A_166 = arith.constant 128 : index
        %swap3A_167 = tpu.vector_load %arg10[%swap3A_166] {strides = array<i32>} : memref<208xi32, #tpu.memory_space<vmem>>, vector<16xi32>,
        tpu.vector_store %arg10[%swap3A_166], %add3A_165 {strides = array<i32>} : memref<208xi32, #tpu.memory_space<vmem>>, vector<16xi32>,
        %add3A_168 = arith.constant 128 : i32
        %add3A_169 = arith.addi %mul3A_5, %add3A_168 : i32
        %add3A_170 = vector.broadcast %add3A_169 : i32 to vector<16xi32>
        %add3A_171 = arith.addi %add3A_170, %iota3A : vector<16xi32>
        %swap3A_172 = arith.constant 128 : index
        %swap3A_173 = tpu.vector_load %arg11[%swap3A_172] {strides = array<i32>} : memref<208xi32, #tpu.memory_space<vmem>>, vector<16xi32>,
        tpu.vector_store %arg11[%swap3A_172], %add3A_171 {strides = array<i32>} : memref<208xi32, #tpu.memory_space<vmem>>, vector<16xi32>,
        %get3A_174 = arith.constant 144 : index
        %get3A_175 = tpu.vector_load %arg7[%get3A_174] {strides = array<i32>} : memref<208xi32, #tpu.memory_space<vmem>>, vector<16xi32>,
        %gather3A_176 = tpu.vector_load_idx %arg13[%get3A_175] : memref<144xi32, #tpu.memory_space<vmem>>[vector<16xi32>], vector<16xi32>,
        %get3A_177 = arith.constant 144 : index
        %get3A_178 = tpu.vector_load %arg9[%get3A_177] {strides = array<i32>} : memref<208xi32, #tpu.memory_space<vmem>>, vector<16xi32>,
        %add3A_179 = arith.addi %gather3A_176, %get3A_178 : vector<16xi32>
        %swap3A_180 = arith.constant 144 : index
        %swap3A_181 = tpu.vector_load %arg10[%swap3A_180] {strides = array<i32>} : memref<208xi32, #tpu.memory_space<vmem>>, vector<16xi32>,
        tpu.vector_store %arg10[%swap3A_180], %add3A_179 {strides = array<i32>} : memref<208xi32, #tpu.memory_space<vmem>>, vector<16xi32>,
        %add3A_182 = arith.constant 144 : i32
        %add3A_183 = arith.addi %mul3A_5, %add3A_182 : i32
        %add3A_184 = vector.broadcast %add3A_183 : i32 to vector<16xi32>
        %add3A_185 = arith.addi %add3A_184, %iota3A : vector<16xi32>
        %swap3A_186 = arith.constant 144 : index
        %swap3A_187 = tpu.vector_load %arg11[%swap3A_186] {strides = array<i32>} : memref<208xi32, #tpu.memory_space<vmem>>, vector<16xi32>,
        tpu.vector_store %arg11[%swap3A_186], %add3A_185 {strides = array<i32>} : memref<208xi32, #tpu.memory_space<vmem>>, vector<16xi32>,
        %get3A_188 = arith.constant 160 : index
        %get3A_189 = tpu.vector_load %arg7[%get3A_188] {strides = array<i32>} : memref<208xi32, #tpu.memory_space<vmem>>, vector<16xi32>,
        %gather3A_190 = tpu.vector_load_idx %arg13[%get3A_189] : memref<144xi32, #tpu.memory_space<vmem>>[vector<16xi32>], vector<16xi32>,
        %get3A_191 = arith.constant 160 : index
        %get3A_192 = tpu.vector_load %arg9[%get3A_191] {strides = array<i32>} : memref<208xi32, #tpu.memory_space<vmem>>, vector<16xi32>,
        %add3A_193 = arith.addi %gather3A_190, %get3A_192 : vector<16xi32>
        %swap3A_194 = arith.constant 160 : index
        %swap3A_195 = tpu.vector_load %arg10[%swap3A_194] {strides = array<i32>} : memref<208xi32, #tpu.memory_space<vmem>>, vector<16xi32>,
        tpu.vector_store %arg10[%swap3A_194], %add3A_193 {strides = array<i32>} : memref<208xi32, #tpu.memory_space<vmem>>, vector<16xi32>,
        %add3A_196 = arith.constant 160 : i32
        %add3A_197 = arith.addi %mul3A_5, %add3A_196 : i32
        %add3A_198 = vector.broadcast %add3A_197 : i32 to vector<16xi32>
        %add3A_199 = arith.addi %add3A_198, %iota3A : vector<16xi32>
        %swap3A_200 = arith.constant 160 : index
        %swap3A_201 = tpu.vector_load %arg11[%swap3A_200] {strides = array<i32>} : memref<208xi32, #tpu.memory_space<vmem>>, vector<16xi32>,
        tpu.vector_store %arg11[%swap3A_200], %add3A_199 {strides = array<i32>} : memref<208xi32, #tpu.memory_space<vmem>>, vector<16xi32>,
        %get3A_202 = arith.constant 176 : index
        %get3A_203 = tpu.vector_load %arg7[%get3A_202] {strides = array<i32>} : memref<208xi32, #tpu.memory_space<vmem>>, vector<16xi32>,
        %gather3A_204 = tpu.vector_load_idx %arg13[%get3A_203] : memref<144xi32, #tpu.memory_space<vmem>>[vector<16xi32>], vector<16xi32>,
        %get3A_205 = arith.constant 176 : index
        %get3A_206 = tpu.vector_load %arg9[%get3A_205] {strides = array<i32>} : memref<208xi32, #tpu.memory_space<vmem>>, vector<16xi32>,
        %add3A_207 = arith.addi %gather3A_204, %get3A_206 : vector<16xi32>
        %swap3A_208 = arith.constant 176 : index
        %swap3A_209 = tpu.vector_load %arg10[%swap3A_208] {strides = array<i32>} : memref<208xi32, #tpu.memory_space<vmem>>, vector<16xi32>,
        tpu.vector_store %arg10[%swap3A_208], %add3A_207 {strides = array<i32>} : memref<208xi32, #tpu.memory_space<vmem>>, vector<16xi32>,
        %add3A_210 = arith.constant 176 : i32
        %add3A_211 = arith.addi %mul3A_5, %add3A_210 : i32
        %add3A_212 = vector.broadcast %add3A_211 : i32 to vector<16xi32>
        %add3A_213 = arith.addi %add3A_212, %iota3A : vector<16xi32>
        %swap3A_214 = arith.constant 176 : index
        %swap3A_215 = tpu.vector_load %arg11[%swap3A_214] {strides = array<i32>} : memref<208xi32, #tpu.memory_space<vmem>>, vector<16xi32>,
        tpu.vector_store %arg11[%swap3A_214], %add3A_213 {strides = array<i32>} : memref<208xi32, #tpu.memory_space<vmem>>, vector<16xi32>,
        %get3A_216 = arith.constant 192 : index
        %get3A_217 = tpu.vector_load %arg7[%get3A_216] {strides = array<i32>} : memref<208xi32, #tpu.memory_space<vmem>>, vector<16xi32>,
        %gather3A_218 = tpu.vector_load_idx %arg13[%get3A_217] : memref<144xi32, #tpu.memory_space<vmem>>[vector<16xi32>], vector<16xi32>,
        %get3A_219 = arith.constant 192 : index
        %get3A_220 = tpu.vector_load %arg9[%get3A_219] {strides = array<i32>} : memref<208xi32, #tpu.memory_space<vmem>>, vector<16xi32>,
        %add3A_221 = arith.addi %gather3A_218, %get3A_220 : vector<16xi32>
        %swap3A_222 = arith.constant 192 : index
        %swap3A_223 = tpu.vector_load %arg10[%swap3A_222] {strides = array<i32>} : memref<208xi32, #tpu.memory_space<vmem>>, vector<16xi32>,
        tpu.vector_store %arg10[%swap3A_222], %add3A_221 {strides = array<i32>} : memref<208xi32, #tpu.memory_space<vmem>>, vector<16xi32>,
        %add3A_224 = arith.constant 192 : i32
        %add3A_225 = arith.addi %mul3A_5, %add3A_224 : i32
        %add3A_226 = vector.broadcast %add3A_225 : i32 to vector<16xi32>
        %add3A_227 = arith.addi %add3A_226, %iota3A : vector<16xi32>
        %swap3A_228 = arith.constant 192 : index
        %swap3A_229 = tpu.vector_load %arg11[%swap3A_228] {strides = array<i32>} : memref<208xi32, #tpu.memory_space<vmem>>, vector<16xi32>,
        tpu.vector_store %arg11[%swap3A_228], %add3A_227 {strides = array<i32>} : memref<208xi32, #tpu.memory_space<vmem>>, vector<16xi32>,
        %dma_start3A = arith.constant 0 : i32
        %dma_start3A_230 = tpu.memref_slice %arg17[%dma_start3A] : memref<1664xi32, #tpu.memory_space<vmem_shared>> -> memref<1664xi32, #tpu.memory_space<vmem_shared>>
        tpu.enqueue_indirect_dma source(%arg8 : memref<208xi32, #tpu.memory_space<vmem>>) target(%dma_start3A_230 : memref<1664xi32, #tpu.memory_space<vmem_shared>>) offsets(%arg10 : memref<208xi32, #tpu.memory_space<vmem>>) semaphore(%arg19 : memref<!tpu.dma_semaphore, #tpu.memory_space<semaphore_mem>>)
        %dma_start3A_231 = arith.constant 0 : i32
        %dma_start3A_232 = tpu.memref_slice %arg18[%dma_start3A_231] : memref<1664xi32, #tpu.memory_space<vmem_shared>> -> memref<1664xi32, #tpu.memory_space<vmem_shared>>
        tpu.enqueue_indirect_dma source(%arg11 : memref<208xi32, #tpu.memory_space<vmem>>) target(%dma_start3A_232 : memref<1664xi32, #tpu.memory_space<vmem_shared>>) offsets(%arg10 : memref<208xi32, #tpu.memory_space<vmem>>) semaphore(%arg20 : memref<!tpu.dma_semaphore, #tpu.memory_space<semaphore_mem>>)
        %dma_wait3A = arith.constant 0 : i32
        %dma_wait3A_233 = tpu.memref_slice %arg17[%dma_wait3A] : memref<1664xi32, #tpu.memory_space<vmem_shared>> -> memref<1664xi32, #tpu.memory_space<vmem_shared>>
        tpu.wait_indirect_dma semaphore(%arg19 : memref<!tpu.dma_semaphore, #tpu.memory_space<semaphore_mem>>) src(%arg8 : memref<208xi32, #tpu.memory_space<vmem>>) dst(%dma_wait3A_233 : memref<1664xi32, #tpu.memory_space<vmem_shared>>)
        %dma_wait3A_234 = arith.constant 0 : i32
        %dma_wait3A_235 = tpu.memref_slice %arg18[%dma_wait3A_234] : memref<1664xi32, #tpu.memory_space<vmem_shared>> -> memref<1664xi32, #tpu.memory_space<vmem_shared>>
        tpu.wait_indirect_dma semaphore(%arg20 : memref<!tpu.dma_semaphore, #tpu.memory_space<semaphore_mem>>) src(%arg11 : memref<208xi32, #tpu.memory_space<vmem>>) dst(%dma_wait3A_235 : memref<1664xi32, #tpu.memory_space<vmem_shared>>)
      } else {
      }
      %barrier3A_41 = arith.constant 0 : index
      tpu.barrier barrier_id(%barrier3A_41)
      %lt3A_42 = arith.constant 7 : i32
      %lt3A_43 = arith.cmpi slt, %arg1, %lt3A_42 : i32
      %convert_element_type3A_44 = arith.extui %lt3A_43 : i1 to i32
      %cond3A_45 = arith.constant 0 : i32
      %cond3A_46 = arith.cmpi ne, %convert_element_type3A_44, %cond3A_45 : i32
      scf.if %cond3A_46 {
        %dma_start3A = tpu.memref_slice %arg17[%mul3A_5] : memref<1664xi32, #tpu.memory_space<vmem_shared>> -> memref<208xi32, #tpu.memory_space<vmem_shared>>
        %dma_start3A_52 = tpu.memref_slice %arg17[%mul3A_5] : memref<1664xi32, #tpu.memory_space<vmem_shared>> -> memref<208xi32, #tpu.memory_space<vmem_shared>>
        tpu.enqueue_dma source(%dma_start3A_52 : memref<208xi32, #tpu.memory_space<vmem_shared>>) target(%arg8 : memref<208xi32, #tpu.memory_space<vmem>>) target_semaphore(%arg19 : memref<!tpu.dma_semaphore, #tpu.memory_space<semaphore_mem>>)
        %dma_start3A_53 = tpu.memref_slice %arg18[%mul3A_5] : memref<1664xi32, #tpu.memory_space<vmem_shared>> -> memref<208xi32, #tpu.memory_space<vmem_shared>>
        %dma_start3A_54 = tpu.memref_slice %arg18[%mul3A_5] : memref<1664xi32, #tpu.memory_space<vmem_shared>> -> memref<208xi32, #tpu.memory_space<vmem_shared>>
        tpu.enqueue_dma source(%dma_start3A_54 : memref<208xi32, #tpu.memory_space<vmem_shared>>) target(%arg11 : memref<208xi32, #tpu.memory_space<vmem>>) target_semaphore(%arg20 : memref<!tpu.dma_semaphore, #tpu.memory_space<semaphore_mem>>)
        %dma_wait3A = tpu.memref_slice %arg17[%mul3A_5] : memref<1664xi32, #tpu.memory_space<vmem_shared>> -> memref<208xi32, #tpu.memory_space<vmem_shared>>
        %dma_wait3A_55 = tpu.memref_slice %arg17[%mul3A_5] : memref<1664xi32, #tpu.memory_space<vmem_shared>> -> memref<208xi32, #tpu.memory_space<vmem_shared>>
        tpu.wait_dma2 semaphore(%arg19 : memref<!tpu.dma_semaphore, #tpu.memory_space<semaphore_mem>>) src(%dma_wait3A_55 : memref<208xi32, #tpu.memory_space<vmem_shared>>) dst(%arg8 : memref<208xi32, #tpu.memory_space<vmem>>)
        %dma_wait3A_56 = tpu.memref_slice %arg18[%mul3A_5] : memref<1664xi32, #tpu.memory_space<vmem_shared>> -> memref<208xi32, #tpu.memory_space<vmem_shared>>
        %dma_wait3A_57 = tpu.memref_slice %arg18[%mul3A_5] : memref<1664xi32, #tpu.memory_space<vmem_shared>> -> memref<208xi32, #tpu.memory_space<vmem_shared>>
        tpu.wait_dma2 semaphore(%arg20 : memref<!tpu.dma_semaphore, #tpu.memory_space<semaphore_mem>>) src(%dma_wait3A_57 : memref<208xi32, #tpu.memory_space<vmem_shared>>) dst(%arg11 : memref<208xi32, #tpu.memory_space<vmem>>)
        %dma_start3A_58 = tpu.memref_slice %arg4[%mul3A_5] : memref<1638xi32, #tpu.memory_space<hbm>> -> memref<208xi32, #tpu.memory_space<hbm>>
        %dma_start3A_59 = tpu.memref_slice %arg4[%mul3A_5] : memref<1638xi32, #tpu.memory_space<hbm>> -> memref<208xi32, #tpu.memory_space<hbm>>
        tpu.enqueue_dma source(%arg8 : memref<208xi32, #tpu.memory_space<vmem>>) target(%dma_start3A_59 : memref<208xi32, #tpu.memory_space<hbm>>) target_semaphore(%arg19 : memref<!tpu.dma_semaphore, #tpu.memory_space<semaphore_mem>>)
        %dma_start3A_60 = tpu.memref_slice %arg5[%mul3A_5] : memref<1638xi32, #tpu.memory_space<hbm>> -> memref<208xi32, #tpu.memory_space<hbm>>
        %dma_start3A_61 = tpu.memref_slice %arg5[%mul3A_5] : memref<1638xi32, #tpu.memory_space<hbm>> -> memref<208xi32, #tpu.memory_space<hbm>>
        tpu.enqueue_dma source(%arg11 : memref<208xi32, #tpu.memory_space<vmem>>) target(%dma_start3A_61 : memref<208xi32, #tpu.memory_space<hbm>>) target_semaphore(%arg20 : memref<!tpu.dma_semaphore, #tpu.memory_space<semaphore_mem>>)
        %dma_wait3A_62 = tpu.memref_slice %arg4[%mul3A_5] : memref<1638xi32, #tpu.memory_space<hbm>> -> memref<208xi32, #tpu.memory_space<hbm>>
        %dma_wait3A_63 = tpu.memref_slice %arg4[%mul3A_5] : memref<1638xi32, #tpu.memory_space<hbm>> -> memref<208xi32, #tpu.memory_space<hbm>>
        tpu.wait_dma2 semaphore(%arg19 : memref<!tpu.dma_semaphore, #tpu.memory_space<semaphore_mem>>) src(%arg8 : memref<208xi32, #tpu.memory_space<vmem>>) dst(%dma_wait3A_63 : memref<208xi32, #tpu.memory_space<hbm>>)
        %dma_wait3A_64 = tpu.memref_slice %arg5[%mul3A_5] : memref<1638xi32, #tpu.memory_space<hbm>> -> memref<208xi32, #tpu.memory_space<hbm>>
        %dma_wait3A_65 = tpu.memref_slice %arg5[%mul3A_5] : memref<1638xi32, #tpu.memory_space<hbm>> -> memref<208xi32, #tpu.memory_space<hbm>>
        tpu.wait_dma2 semaphore(%arg20 : memref<!tpu.dma_semaphore, #tpu.memory_space<semaphore_mem>>) src(%arg11 : memref<208xi32, #tpu.memory_space<vmem>>) dst(%dma_wait3A_65 : memref<208xi32, #tpu.memory_space<hbm>>)
      } else {
      }
      %eq3A_47 = arith.constant 7 : i32
      %eq3A_48 = arith.cmpi eq, %arg1, %eq3A_47 : i32
      %convert_element_type3A_49 = arith.extui %eq3A_48 : i1 to i32
      %cond3A_50 = arith.constant 0 : i32
      %cond3A_51 = arith.cmpi ne, %convert_element_type3A_49, %cond3A_50 : i32
      scf.if %cond3A_51 {
        %dma_start3A = arith.constant 0 : i32
        %dma_start3A_52 = tpu.memref_slice %arg8[%dma_start3A] : memref<208xi32, #tpu.memory_space<vmem>> -> memref<182xi32, #tpu.memory_space<vmem>>
        %dma_start3A_53 = tpu.memref_slice %arg17[%mul3A_5] : memref<1664xi32, #tpu.memory_space<vmem_shared>> -> memref<182xi32, #tpu.memory_space<vmem_shared>>
        %dma_start3A_54 = arith.constant 0 : i32
        %dma_start3A_55 = tpu.memref_slice %arg8[%dma_start3A_54] : memref<208xi32, #tpu.memory_space<vmem>> -> memref<182xi32, #tpu.memory_space<vmem>>
        %dma_start3A_56 = tpu.memref_slice %arg17[%mul3A_5] : memref<1664xi32, #tpu.memory_space<vmem_shared>> -> memref<182xi32, #tpu.memory_space<vmem_shared>>
        tpu.enqueue_dma source(%dma_start3A_56 : memref<182xi32, #tpu.memory_space<vmem_shared>>) target(%dma_start3A_55 : memref<182xi32, #tpu.memory_space<vmem>>) target_semaphore(%arg19 : memref<!tpu.dma_semaphore, #tpu.memory_space<semaphore_mem>>)
        %dma_start3A_57 = arith.constant 0 : i32
        %dma_start3A_58 = tpu.memref_slice %arg11[%dma_start3A_57] : memref<208xi32, #tpu.memory_space<vmem>> -> memref<182xi32, #tpu.memory_space<vmem>>
        %dma_start3A_59 = tpu.memref_slice %arg18[%mul3A_5] : memref<1664xi32, #tpu.memory_space<vmem_shared>> -> memref<182xi32, #tpu.memory_space<vmem_shared>>
        %dma_start3A_60 = arith.constant 0 : i32
        %dma_start3A_61 = tpu.memref_slice %arg11[%dma_start3A_60] : memref<208xi32, #tpu.memory_space<vmem>> -> memref<182xi32, #tpu.memory_space<vmem>>
        %dma_start3A_62 = tpu.memref_slice %arg18[%mul3A_5] : memref<1664xi32, #tpu.memory_space<vmem_shared>> -> memref<182xi32, #tpu.memory_space<vmem_shared>>
        tpu.enqueue_dma source(%dma_start3A_62 : memref<182xi32, #tpu.memory_space<vmem_shared>>) target(%dma_start3A_61 : memref<182xi32, #tpu.memory_space<vmem>>) target_semaphore(%arg20 : memref<!tpu.dma_semaphore, #tpu.memory_space<semaphore_mem>>)
        %dma_wait3A = arith.constant 0 : i32
        %dma_wait3A_63 = tpu.memref_slice %arg8[%dma_wait3A] : memref<208xi32, #tpu.memory_space<vmem>> -> memref<182xi32, #tpu.memory_space<vmem>>
        %dma_wait3A_64 = tpu.memref_slice %arg17[%mul3A_5] : memref<1664xi32, #tpu.memory_space<vmem_shared>> -> memref<182xi32, #tpu.memory_space<vmem_shared>>
        %dma_wait3A_65 = arith.constant 0 : i32
        %dma_wait3A_66 = tpu.memref_slice %arg8[%dma_wait3A_65] : memref<208xi32, #tpu.memory_space<vmem>> -> memref<182xi32, #tpu.memory_space<vmem>>
        %dma_wait3A_67 = tpu.memref_slice %arg17[%mul3A_5] : memref<1664xi32, #tpu.memory_space<vmem_shared>> -> memref<182xi32, #tpu.memory_space<vmem_shared>>
        tpu.wait_dma2 semaphore(%arg19 : memref<!tpu.dma_semaphore, #tpu.memory_space<semaphore_mem>>) src(%dma_wait3A_67 : memref<182xi32, #tpu.memory_space<vmem_shared>>) dst(%dma_wait3A_66 : memref<182xi32, #tpu.memory_space<vmem>>)
        %dma_wait3A_68 = arith.constant 0 : i32
        %dma_wait3A_69 = tpu.memref_slice %arg11[%dma_wait3A_68] : memref<208xi32, #tpu.memory_space<vmem>> -> memref<182xi32, #tpu.memory_space<vmem>>
        %dma_wait3A_70 = tpu.memref_slice %arg18[%mul3A_5] : memref<1664xi32, #tpu.memory_space<vmem_shared>> -> memref<182xi32, #tpu.memory_space<vmem_shared>>
        %dma_wait3A_71 = arith.constant 0 : i32
        %dma_wait3A_72 = tpu.memref_slice %arg11[%dma_wait3A_71] : memref<208xi32, #tpu.memory_space<vmem>> -> memref<182xi32, #tpu.memory_space<vmem>>
        %dma_wait3A_73 = tpu.memref_slice %arg18[%mul3A_5] : memref<1664xi32, #tpu.memory_space<vmem_shared>> -> memref<182xi32, #tpu.memory_space<vmem_shared>>
        tpu.wait_dma2 semaphore(%arg20 : memref<!tpu.dma_semaphore, #tpu.memory_space<semaphore_mem>>) src(%dma_wait3A_73 : memref<182xi32, #tpu.memory_space<vmem_shared>>) dst(%dma_wait3A_72 : memref<182xi32, #tpu.memory_space<vmem>>)
        %dma_start3A_74 = arith.constant 0 : i32
        %dma_start3A_75 = tpu.memref_slice %arg8[%dma_start3A_74] : memref<208xi32, #tpu.memory_space<vmem>> -> memref<182xi32, #tpu.memory_space<vmem>>
        %dma_start3A_76 = tpu.memref_slice %arg4[%mul3A_5] : memref<1638xi32, #tpu.memory_space<hbm>> -> memref<182xi32, #tpu.memory_space<hbm>>
        %dma_start3A_77 = tpu.memref_slice %arg4[%mul3A_5] : memref<1638xi32, #tpu.memory_space<hbm>> -> memref<182xi32, #tpu.memory_space<hbm>>
        %dma_start3A_78 = arith.constant 0 : i32
        %dma_start3A_79 = tpu.memref_slice %arg8[%dma_start3A_78] : memref<208xi32, #tpu.memory_space<vmem>> -> memref<182xi32, #tpu.memory_space<vmem>>
        tpu.enqueue_dma source(%dma_start3A_79 : memref<182xi32, #tpu.memory_space<vmem>>) target(%dma_start3A_77 : memref<182xi32, #tpu.memory_space<hbm>>) target_semaphore(%arg19 : memref<!tpu.dma_semaphore, #tpu.memory_space<semaphore_mem>>)
        %dma_start3A_80 = arith.constant 0 : i32
        %dma_start3A_81 = tpu.memref_slice %arg11[%dma_start3A_80] : memref<208xi32, #tpu.memory_space<vmem>> -> memref<182xi32, #tpu.memory_space<vmem>>
        %dma_start3A_82 = tpu.memref_slice %arg5[%mul3A_5] : memref<1638xi32, #tpu.memory_space<hbm>> -> memref<182xi32, #tpu.memory_space<hbm>>
        %dma_start3A_83 = tpu.memref_slice %arg5[%mul3A_5] : memref<1638xi32, #tpu.memory_space<hbm>> -> memref<182xi32, #tpu.memory_space<hbm>>
        %dma_start3A_84 = arith.constant 0 : i32
        %dma_start3A_85 = tpu.memref_slice %arg11[%dma_start3A_84] : memref<208xi32, #tpu.memory_space<vmem>> -> memref<182xi32, #tpu.memory_space<vmem>>
        tpu.enqueue_dma source(%dma_start3A_85 : memref<182xi32, #tpu.memory_space<vmem>>) target(%dma_start3A_83 : memref<182xi32, #tpu.memory_space<hbm>>) target_semaphore(%arg20 : memref<!tpu.dma_semaphore, #tpu.memory_space<semaphore_mem>>)
        %dma_wait3A_86 = arith.constant 0 : i32
        %dma_wait3A_87 = tpu.memref_slice %arg8[%dma_wait3A_86] : memref<208xi32, #tpu.memory_space<vmem>> -> memref<182xi32, #tpu.memory_space<vmem>>
        %dma_wait3A_88 = tpu.memref_slice %arg4[%mul3A_5] : memref<1638xi32, #tpu.memory_space<hbm>> -> memref<182xi32, #tpu.memory_space<hbm>>
        %dma_wait3A_89 = tpu.memref_slice %arg4[%mul3A_5] : memref<1638xi32, #tpu.memory_space<hbm>> -> memref<182xi32, #tpu.memory_space<hbm>>
        %dma_wait3A_90 = arith.constant 0 : i32
        %dma_wait3A_91 = tpu.memref_slice %arg8[%dma_wait3A_90] : memref<208xi32, #tpu.memory_space<vmem>> -> memref<182xi32, #tpu.memory_space<vmem>>
        tpu.wait_dma2 semaphore(%arg19 : memref<!tpu.dma_semaphore, #tpu.memory_space<semaphore_mem>>) src(%dma_wait3A_91 : memref<182xi32, #tpu.memory_space<vmem>>) dst(%dma_wait3A_89 : memref<182xi32, #tpu.memory_space<hbm>>)
        %dma_wait3A_92 = arith.constant 0 : i32
        %dma_wait3A_93 = tpu.memref_slice %arg11[%dma_wait3A_92] : memref<208xi32, #tpu.memory_space<vmem>> -> memref<182xi32, #tpu.memory_space<vmem>>
        %dma_wait3A_94 = tpu.memref_slice %arg5[%mul3A_5] : memref<1638xi32, #tpu.memory_space<hbm>> -> memref<182xi32, #tpu.memory_space<hbm>>
        %dma_wait3A_95 = tpu.memref_slice %arg5[%mul3A_5] : memref<1638xi32, #tpu.memory_space<hbm>> -> memref<182xi32, #tpu.memory_space<hbm>>
        %dma_wait3A_96 = arith.constant 0 : i32
        %dma_wait3A_97 = tpu.memref_slice %arg11[%dma_wait3A_96] : memref<208xi32, #tpu.memory_space<vmem>> -> memref<182xi32, #tpu.memory_space<vmem>>
        tpu.wait_dma2 semaphore(%arg20 : memref<!tpu.dma_semaphore, #tpu.memory_space<semaphore_mem>>) src(%dma_wait3A_97 : memref<182xi32, #tpu.memory_space<vmem>>) dst(%dma_wait3A_95 : memref<182xi32, #tpu.memory_space<hbm>>)
      } else {
      }
      "tpu.trace_stop"() : () -> ()
    } else {
    }
    return
  }
}

</mosaic_0001>

<sc_bundles>
// kernel: kernel.3.cloned.1.call-start
scs
__scs_entry_jumppad:
0x0: {  	(pc) =	sbr.rel $0x88, $3  }
0x1: {  	(tag) =	ssettag $0x0;
	lr =	simm.s32 $0x1  }
0x2: {  	[smem:$0x3F9F] =	sst lr;
	_ =	strace $0xD0000000  }
0x3: {  	_ = 	snop  }
0x4: {  	_ = 	snop  }
0x5: {  	_ = 	snop  }
0x6: {  	_ = 	snop  }
0x7: {  	_ = 	snop  }
__scs_overlays_trampoline_lowered:
0x8: {  	[smem:$0x3FAE] =	sst s0  }
0x9: {  	[smem:$0x3FAF] =	sst s1  }
0xa: {  	[smem:$0x3FB0] =	sst s2  }
0xb: {  	[smem:$0x3FB1] =	sst s3  }
0xc: {  	[smem:$0x3FB2] =	sst s4  }
0xd: {  	[smem:$0x3FB3] =	sst s5  }
0xe: {  	[smem:$0x3FB4] =	sst s6  }
0xf: {  	[smem:$0x3FB5] =	sst s7  }
0x10: {  	[smem:$0x3FB6] =	sst s8  }
0x11: {  	[smem:$0x3FB7] =	sst s9;
	s0 =	simm.s32 @!p0 $0x0  }
0x12: {  	s1 =	sld [smem:$0x3F9D];
	s0 =	simm.s32 @p0 $0x1  }
0x13: {  	[smem:$0x3FB8] =	sst s0;
	s0 =	simm.s32 @!p1 $0x0  }
0x14: {  	s2 =	sld [smem:$0x3F9C];
	s0 =	simm.s32 @p1 $0x1  }
0x15: {  	[smem:$0x3FB9] =	sst s0;
	s0 =	simm.s32 @!p2 $0x0  }
0x16: {  	s3 =	sld [smem:$0x3FDB];
	s0 =	simm.s32 @p2 $0x1  }
0x17: {  	s4 =	simm.s32 $0x1BF5;
	[smem:$0x3FBB] =	sst s0  }
0x18: {  	s0 =	sld [smem:$0x3F9E];
	_ =	swait.ge [sflag:s4], $0x0  }
0x19: {  	s7 =	sld [smem:$0x3F9F]  }
0x1a: {  	s8 =	sadd.s32 $0xFFFFE003, lr  }
0x1b: {  	s9 =	sadd.s32 $0xFFFFFEF7, lr;
	s5 =	simm.s32 $0xFFFFFFFF;
	p2 =	slt.u32 s8, $0xFFFFF086  }
0x1c: {  	p1 =	slt.u32 s9, $0xF7A;
	s5 =	simm.s32 @!p2 $0x0  }
0x1d: {  	s5 =	simm.s32 @p1 $0x1;
	p0 =	seq.s32 s7, s2  }
0x1e: {  	s7 =	smul.u32 @!p0 $0xF7A, s2;
	p2 =	seq.s32 @!p0 s5, $0x0  }
0x1f: {  	s9 =	smul.u32 $0xF7A, s1;
	s8 =	simm.s32 @!p0 $0x1BF5;
	p2 =	por !p2, p0  }
0x20: {  	[sflag:s8] =	ssyncset.s32 @!p0 $0xFFFFF086;
	s6 =	sadd.s32 @!p0 s3, s7;
	s7 =	simm.s32 @!p0 $0x108  }
0x21: {  	s3 =	sadd.s32 s3, s9;
	s6 =	sadd.s32 @!p0 $0x88, s6;
	s7 =	simm.s32 @p2 $0x1082  }
0x22: {  	[simem:s7], [sflag:s8] =	dma.local @!p0 [hbm:s6], $0xF7A  }
0x23: {  	s9 =	sor.u32 $0xD0000000, s2;
	s6 =	simm.s32 $0x108;
	_ =	swait.ge @!p0 [sflag:s8], $0x0  }
0x24: {  	s3 =	sadd.s32 $0x88, s3;
	s6 =	simm.s32 @!p1 $0x1082;
	[sflag:s4] =	ssyncset.s32 $0xFFFFF086  }
0x25: {  	[simem:s6], [sflag:s4] =	dma.local [hbm:s3], $0xF7A  }
0x26: {  	[smem:$0x3F9F] =	sst s1;
	(tag) =	ssettag s2;
	_ =	strace s9  }
0x27: {  	s1 =	sld [smem:$0x3FAF]  }
0x28: {  	s2 =	sld [smem:$0x3FB0]  }
0x29: {  	s4 =	sld [smem:$0x3FB2]  }
0x2a: {  	p0 =	seq.s32 s5, $0x0;
	s5 =	sld [smem:$0x3FB3]  }
0x2b: {  	s6 =	sld [smem:$0x3FB4]  }
0x2c: {  	s7 =	sld [smem:$0x3FB5]  }
0x2d: {  	s3 =	simm.s32 $0x108;
	s8 =	sld [smem:$0x3FB6]  }
0x2e: {  	s3 =	simm.s32 @!p0 $0x1082;
	s9 =	sld [smem:$0x3FB7]  }
0x2f: {  	lr =	sadd.s32 s0, s3;
	s0 =	sld [smem:$0x3FAE]  }
0x30: {  	s3 =	sld [smem:$0x3FB1]  }
0x31: {  	[smem:$0x3FBA] =	sst s10  }
0x32: {  	s10 =	sld [smem:$0x3FB8];
	_ =	sdelay $0x3  }
0x33: {  	p0 =	seq.s32 s10, $0x1;
	s10 =	sld [smem:$0x3FBA];
	_ =	sdelay $0x3  }
0x34: {  	[smem:$0x3FBA] =	sst s10  }
0x35: {  	s10 =	sld [smem:$0x3FB9];
	_ =	sdelay $0x3  }
0x36: {  	p1 =	seq.s32 s10, $0x1;
	s10 =	sld [smem:$0x3FBA];
	_ =	sdelay $0x3  }
0x37: {  	[smem:$0x3FBA] =	sst s10  }
0x38: {  	s10 =	sld [smem:$0x3FBB]  }
0x39: {  	_ = 	snop;
	(pc) =	sbr.ind lr, $3  }
0x3a: {  	_ = 	snop  }
0x3b: {  	_ = 	snop  }
0x3c: {  	p2 =	seq.s32 s10, $0x1;
	s10 =	sld [smem:$0x3FBA]  }
0x3d: {  	_ =	shalt  }
0x3e: {  	_ =	shalt  }
0x3f: {  	_ =	shalt  }
0x40: {  	_ =	shalt  }
0x41: {  	_ =	shalt  }
0x42: {  	_ =	shalt  }
0x43: {  	_ =	shalt  }
0x44: {  	_ =	shalt  }
0x45: {  	_ =	shalt  }
0x46: {  	_ =	shalt  }
0x47: {  	_ =	shalt  }
0x48: {  	_ =	shalt  }
0x49: {  	_ =	shalt  }
0x4a: {  	_ =	shalt  }
0x4b: {  	_ =	shalt  }
0x4c: {  	_ =	shalt  }
0x4d: {  	_ =	shalt  }
0x4e: {  	_ =	shalt  }
0x4f: {  	_ =	shalt  }
0x50: {  	_ =	shalt  }
0x51: {  	_ =	shalt  }
0x52: {  	_ =	shalt  }
0x53: {  	_ =	shalt  }
0x54: {  	_ =	shalt  }
0x55: {  	_ =	shalt  }
0x56: {  	_ =	shalt  }
0x57: {  	_ =	shalt  }
0x58: {  	_ =	shalt  }
0x59: {  	_ =	shalt  }
0x5a: {  	_ =	shalt  }
0x5b: {  	_ =	shalt  }
0x5c: {  	_ =	shalt  }
0x5d: {  	_ =	shalt  }
0x5e: {  	_ =	shalt  }
0x5f: {  	_ =	shalt  }
0x60: {  	_ =	shalt  }
0x61: {  	_ =	shalt  }
0x62: {  	_ =	shalt  }
0x63: {  	_ =	shalt  }
0x64: {  	_ =	shalt  }
0x65: {  	_ =	shalt  }
0x66: {  	_ =	shalt  }
0x67: {  	_ =	shalt  }
0x68: {  	_ =	shalt  }
0x69: {  	_ =	shalt  }
0x6a: {  	_ =	shalt  }
0x6b: {  	_ =	shalt  }
0x6c: {  	_ =	shalt  }
0x6d: {  	_ =	shalt  }
0x6e: {  	_ =	shalt  }
0x6f: {  	_ =	shalt  }
0x70: {  	_ =	shalt  }
0x71: {  	_ =	shalt  }
0x72: {  	_ =	shalt  }
0x73: {  	_ =	shalt  }
0x74: {  	_ =	shalt  }
0x75: {  	_ =	shalt  }
0x76: {  	_ =	shalt  }
0x77: {  	_ =	shalt  }
0x78: {  	_ =	shalt  }
0x79: {  	_ =	shalt  }
0x7a: {  	_ =	shalt  }
0x7b: {  	_ =	shalt  }
0x7c: {  	_ =	shalt  }
0x7d: {  	_ =	shalt  }
0x7e: {  	_ =	shalt  }
0x7f: {  	_ =	shalt  }
0x80: {  	_ =	shalt  }
0x81: {  	_ =	shalt  }
0x82: {  	_ =	shalt  }
0x83: {  	_ =	shalt  }
0x84: {  	_ =	shalt  }
0x85: {  	_ =	shalt  }
0x86: {  	_ =	shalt  }
0x87: {  	_ =	shalt  }
.Lfunc_end0:
.L_simem_size_0:
called_computation_lowered:
.L_overlay_start_0:
0x88: {  	s2 =	sld [smem:$0x3FD9]  }
0x89: {  	s3 =	sld [smem:$0x3FFE];
	_ =	sdelay $0x1  }
0x8a: {  	s1 =	srdreg.scid  }
0x8b: {  	s0 =	sand.u32 $0x1, s1  }
0x8c: {  	s15 =	sshll.u32 s0, $0xA;
	s2 =	sadd.s32 s3, s2  }
0x8d: {  	s2 =	sadd.s32 s2, s15  }
0x8e: {  	[smem:$0x3FC6] =	sst s2  }
0x8f: {  	_ = 	snop  }
0x90: {  	s2 =	sld [smem:$0x3FD0];
	_ =	sdelay $0x1  }
0x91: {  	s16 =	sld [smem:$0x3FC9]  }
0x92: {  	s5 =	simm.s32 $0xA;
	s6 =	simm.s32 $0x10;
	s4 =	sld [smem:$0x3FC8]  }
0x93: {  	[smem:s6], [sflag:s5] =	dma.local [hbm:s2], $0x1  }
0x94: {  	_ =	swait.eq [sflag:s5], $0x1  }
0x95: {  	s17 =	sld [smem:$0x10];
	[sflag:s5] =	ssyncset.done $0x0  }
0x96: {  	s18 =	sld [smem:$0x11];
	[sflag:s5] =	ssyncadd.s32 $0xFFFFFFFF  }
0x97: {  	s19 =	sld [smem:$0x12];
	(tm) =	ssettm $0x1  }
0x98: {  	s7 =	sld [smem:$0x3FFB];
	_ =	sdelay $0x3  }
0x99: {  	_ =	strace s7  }
0x9a: {  	s7 =	sld [smem:$0x3FFC];
	_ =	sdelay $0x3  }
0x9b: {  	_ =	strace s7  }
0x9c: {  	s7 =	sld [smem:$0x3FFD];
	_ =	sdelay $0x3  }
0x9d: {  	_ =	strace s7  }
0x9e: {  	_ =	strace $0x8FFFFFFF  }
0x9f: {  	s20 =	sld [smem:$0x3FDB];
	_ =	sdelay $0x1  }
0xa0: {  	s8 =	simm.s32 $_scs_section_size  }
0xa1: {  	s9 =	simm.s32 $_size__tile_overlayer_lowered;
	s10 =	simm.s32 $_tile_overlayer_lowered  }
0xa2: {  	s23 =	simm.s32 $0x1BFF;
	s22 =	sshll.u32 s10, $0x1;
	s7 =	sadd.s32 s8, s20  }
0xa3: {  	s11 =	simm.s32 $0x0;
	s21 =	sshll.u32 s9, $0x1;
	s9 =	sadd.s32 s22, s7  }
0xa4: {  	[timem:s11], [sflag:s23] =	dma.local [hbm:s9], s21  }
0xa5: {  	_ =	swait.ge [sflag:s23], s21  }
0xa6: {  	s8 =	ssub.s32 $0x0, s21;
	[sflag:s23] =	ssyncset.done $0x0  }
0xa7: {  	[sflag:s23] =	ssyncadd.s32 s8;
	_ =	sdelay $0x1  }
0xa8: {  	s24 =	simm.s32 $0x1B8B  }
0xa9: {  	_ =	swait.ge [sflag:s24], $0x1  }
0xaa: {  	[sflag:s24] =	ssyncset.done $0x0  }
0xab: {  	s25 =	simm.s32 $0x1B8E;
	[sflag:s24] =	ssyncadd.s32 $0xFFFFFFFF  }
0xac: {  	s26 =	simm.s32 $execute0_lowered;
	[smem:$0x3FD2] =	sst s25  }
0xad: {  	s8 =	sshll.u32 s26, $0x1;
	_ =	strace $0x80000046;
	[dreg:$0x1] =	wrdreg $0xFFFFFFFF  }
0xae: {  	s28 =	simm.s32 $_size_execute0_lowered;
	s7 =	sadd.s32 s7, s8;
	[dreg:$0x0] =	wrdreg $0x0  }
0xaf: {  	s8 =	sshll.u32 s28, $0x1;
	[dreg:$0x2] =	wrdreg s7  }
0xb0: {  	[dreg:$0x3] =	wrdreg s8  }
0xb1: {  	[dreg:$0x4] =	wrdreg $0xC0  }
0xb2: {  	_ =	task [dreg:s11], $0x5FFFF  }
0xb3: {  	[dreg:$0x1] =	wrdreg $0xFFFFFFFF  }
0xb4: {  	[dreg:$0x0] =	wrdreg $0x60  }
0xb5: {  	[dreg:$0x2] =	wrdreg s4  }
0xb6: {  	[dreg:$0x3] =	wrdreg s16  }
0xb7: {  	[dreg:$0x4] =	wrdreg s17  }
0xb8: {  	[dreg:$0x5] =	wrdreg s19  }
0xb9: {  	[dreg:$0x6] =	wrdreg s18  }
0xba: {  	[dreg:$0x7] =	wrdreg $0xC800  }
0xbb: {  	[dreg:$0x8] =	wrdreg $0xCC80  }
0xbc: {  	[dreg:$0x9] =	wrdreg $0xD300  }
0xbd: {  	[dreg:$0xa] =	wrdreg $0x9  }
0xbe: {  	_ =	task.clear_ibuf [dreg:s11], $0xBFFFF;
	_ =	strace $0x90000046  }
0xbf: {  	s29 =	simm.s32 $0x9;
	_ =	strace $0x8000004D  }
0xc0: {  	_ =	swait.ge [sflag:s29], $0x1  }
0xc1: {  	[sflag:s29] =	ssyncadd.s32 $0xFFFFFFFF  }
0xc2: {  	_ =	strace $0x9000004D  }
0xc3: {  	_ =	sfence  }
0xc4: {  	s30 =	sld [smem:$0x0];
	_ =	sdelay $0x2  }
0xc5: {  	s31 =	sshll.u32 s1, $0xD;
	s1 =	sshrl.u32 s1, $0x2  }
0xc6: {  	s3 =	sand.u32 $0x4000, s31;
	s1 =	sadd.s32 s1, s30  }
0xc7: {  	s0 =	sor.u32 s3, s0;
	s1 =	sshll.u32 s1, $0x11  }
0xc8: {  	s0 =	sor.u32 s1, s0  }
0xc9: {  	s0 =	sadd.s32 $0x8F2B, s0  }
0xca: {  	[sflag:s0] =	ssyncadd.remote.s32 $0x1  }
0xcb: {  	_ =	sfence.sel $0xFFFF  }
0xcc: {  	[dreg:$0x0] =	wrdreg $0xFFFFFFFF;
	(pc) =	sbr.abs _section_cstart, $3  }
0xcd: {  	[dreg:$0x1] =	wrdreg $0xFFFFFFFF  }
0xce: {  	_ =	task.clear_ibuf [dreg:s11], $0x2FFFF;
	_ =	strace $0x9FFFFFFF  }
0xcf: {  	(tm) =	ssettm $0x7FFFFFFF  }
tec
execute0_lowered:
.L_overlay_start_1:
0x0: {  	(tag) =	ssettag $0x1  }
0x1: {  	s11 =	rddreg [dreg:$0x0]  }
0x2: {  	s8 =	rddreg [dreg:$0x1]  }
0x3: {  	s9 =	rddreg [dreg:$0x2];
	s1 =	srdreg.scid  }
0x4: {  	s10 =	rddreg [dreg:$0x3];
	s1 =	sand.u32 $0x1, s1  }
0x5: {  	s4 =	rddreg [dreg:$0x4];
	p0 =	seq.s32 s1, $0x1  }
.Ltmp0:
0x6: {  	s7 =	rddreg [dreg:$0x5];
	(pc) =	sbr.rel @p0 .LBB2_9-.Ltmp0, $4  }
0x7: {  	s3 =	rddreg [dreg:$0x6]  }
0x8: {  	s2 =	rddreg [dreg:$0x7];
	s5 =	simm.s32 $0x0  }
0x9: {  	[smem:$0x7FF] =	sst s5  }
0xa: {  	s0 =	rddreg [dreg:$0x8];
	_ =	strace $0x80000047;
	s1 =	stileid.u32  }
0xb: {  	p0 =	sgt.u32 s1, $0x6  }
.Ltmp1:
0xc: {  	_ = 	snop;
	(pc) =	sbr.rel @!p0 .LBB2_2-.Ltmp1, $3  }
0xd: {  	_ = 	snop  }
0xe: {  	s5 =	smul.u32 $0xD0, s1;
	_ =	sdelay $0x1  }
0xf: {  	_ =	strace $0x80000048;
	s6 =	sshrl.u32 s5, $0x3  }
0x10: {  	p1 =	sne.s32 s1, $0x7  }
.Ltmp2:
0x11: {  	_ = 	snop;
	(pc) =	sbr.rel @p1 .LBB2_10-.Ltmp2, $1  }
0x12: {  	_ =	sdelay $0x3  }
0x13: {  	v0 =	vimm.s32 $0x80  }
0x14: {  	[tilespmem:$0xB0] =	vst v0  }
0x15: {  	s11 =	sadd.s32 $0xB6, s11;
	s12 =	simm.s32 $0x0;
	[tilespmem:$0xC0] =	vst v0  }
0x16: {  	[tilespmem:s12], [sflag:$0x1] =	stream.linear.gather [hbm4b:s11+s12], $0xB6, $0x200038;
	[tilespmem:$0xD98] =	vst v63  }
0x17: {  	s8 =	sadd.s32 $0xB6, s8;
	s29 =	simm.s32 $0x100;
	s30 =	simm.s32 $0x1  }
0x18: {  	[tilespmem:s29], [sflag:$0x2] =	stream.linear.gather [hbm4b:s8+s12], $0xB6, $0x200038;
	[tilespmem:$0xD98] =	vst v63  }
0x19: {  	_ =	swait.ge [sflag:s30], $0xB6  }
.Ltmp3:
0x1a: {  	[sflag:s30] =	ssyncset.done $0x0;
	(pc) =	sbr.rel .LBB2_5-.Ltmp3, $4  }
0x1b: {  	s31 =	simm.s32 $0x2;
	[sflag:s30] =	ssyncadd.s32 $0xFFFFFF4A  }
0x1c: {  	_ =	swait.ge [sflag:s31], $0xB6  }
0x1d: {  	[sflag:s31] =	ssyncset.done $0x0  }
0x1e: {  	[sflag:s31] =	ssyncadd.s32 $0xFFFFFF4A  }
.LBB2_2:
0x1f: {  	s11 =	sadd.s32 s11, s6;
	s12 =	simm.s32 $0x0  }
0x20: {  	[tilespmem:s12], [sflag:$0x1] =	stream.linear.gather [hbm4b:s11+s12], $0xD0, $0x200038;
	[tilespmem:$0xD98] =	vst v63  }
0x21: {  	s8 =	sadd.s32 s8, s6;
	s29 =	simm.s32 $0x100;
	s30 =	simm.s32 $0x1  }
0x22: {  	[tilespmem:s29], [sflag:$0x2] =	stream.linear.gather [hbm4b:s8+s12], $0xD0, $0x200038;
	[tilespmem:$0xD98] =	vst v63  }
0x23: {  	_ =	swait.ge [sflag:s30], $0xD0  }
0x24: {  	[sflag:s30] =	ssyncset.done $0x0  }
0x25: {  	s31 =	simm.s32 $0x2;
	[sflag:s30] =	ssyncadd.s32 $0xFFFFFF30  }
0x26: {  	_ =	swait.ge [sflag:s31], $0xD0  }
0x27: {  	[sflag:s31] =	ssyncset.done $0x0  }
0x28: {  	[sflag:s31] =	ssyncadd.s32 $0xFFFFFF30  }
.LBB2_5:
0x29: {  	_ =	strace $0x90000048  }
0x2a: {  	_ =	strace $0x80000049  }
0x2b: {  	v0 =	vld [tilespmem:$0x0];
	_ =	sdelay $0x4  }
0x2c: {  	(xrf1) =	vunique.msk.u32 $0xffff, v0;
	_ =	sdelay $0x1  }
0x2d: {  	v6 =	vimm.s32 $0x0  }
0x2e: {  	[tilespmem:$0x500] =	vst v6  }
0x2f: {  	[tilespmem:$0x510] =	vst v6  }
0x30: {  	[tilespmem:$0x520] =	vst v6  }
0x31: {  	[tilespmem:$0x530] =	vst v6  }
0x32: {  	[tilespmem:$0x540] =	vst v6  }
0x33: {  	[tilespmem:$0x550] =	vst v6  }
0x34: {  	[tilespmem:$0x560] =	vst v6  }
0x35: {  	[tilespmem:$0x570] =	vst v6  }
0x36: {  	s8 =	simm.s32 $0x500;
	[tilespmem:$0x580] =	vst v6  }
0x37: {  	v1 =	vld.idx.msk [tilespmem:v0+s8+$0x0], $0xffff;
	_ =	sdelay $0x1  }
0x38: {  	_, v2, vm0 =	vpop (xrf1);
	_ =	sdelay $0x2  }
0x39: {  	v1 =	vadd.s32 v1, v2  }
0x3a: {  	v2 =	vadd.s32 $0xFFFFFFFF, v1  }
0x3b: {  	[tilespmem:$0x200] =	vst v2  }
0x3c: {  	[tilespmem:v0+s8+$0x0] =	vst.idx.msk vm0, v1  }
0x3d: {  	v0 =	vld [tilespmem:$0x10];
	_ =	sdelay $0x4  }
0x3e: {  	(xrf1) =	vunique.msk.u32 $0xffff, v0;
	_ =	sdelay $0xb  }
0x3f: {  	v1 =	vld.idx.msk [tilespmem:v0+s8+$0x0], $0xffff;
	_ =	sdelay $0x1  }
0x40: {  	_, v2, vm4 =	vpop (xrf1);
	_ =	sdelay $0x2  }
0x41: {  	v1 =	vadd.s32 v1, v2  }
0x42: {  	v2 =	vadd.s32 $0xFFFFFFFF, v1  }
0x43: {  	[tilespmem:$0x210] =	vst v2  }
0x44: {  	[tilespmem:v0+s8+$0x0] =	vst.idx.msk vm4, v1  }
0x45: {  	v0 =	vld [tilespmem:$0x20];
	_ =	sdelay $0x4  }
0x46: {  	(xrf1) =	vunique.msk.u32 $0xffff, v0;
	_ =	sdelay $0xb  }
0x47: {  	v1 =	vld.idx.msk [tilespmem:v0+s8+$0x0], $0xffff;
	_ =	sdelay $0x1  }
0x48: {  	_, v2, vm5 =	vpop (xrf1);
	_ =	sdelay $0x2  }
0x49: {  	v1 =	vadd.s32 v1, v2  }
0x4a: {  	v2 =	vadd.s32 $0xFFFFFFFF, v1  }
0x4b: {  	[tilespmem:$0x220] =	vst v2  }
0x4c: {  	[tilespmem:v0+s8+$0x0] =	vst.idx.msk vm5, v1  }
0x4d: {  	v0 =	vld [tilespmem:$0x30];
	_ =	sdelay $0x4  }
0x4e: {  	(xrf1) =	vunique.msk.u32 $0xffff, v0;
	_ =	sdelay $0xb  }
0x4f: {  	v1 =	vld.idx.msk [tilespmem:v0+s8+$0x0], $0xffff;
	_ =	sdelay $0x1  }
0x50: {  	_, v2, vm6 =	vpop (xrf1);
	_ =	sdelay $0x2  }
0x51: {  	v1 =	vadd.s32 v1, v2  }
0x52: {  	v2 =	vadd.s32 $0xFFFFFFFF, v1  }
0x53: {  	[tilespmem:$0x230] =	vst v2  }
0x54: {  	[tilespmem:v0+s8+$0x0] =	vst.idx.msk vm6, v1  }
0x55: {  	v0 =	vld [tilespmem:$0x40];
	_ =	sdelay $0x4  }
0x56: {  	(xrf1) =	vunique.msk.u32 $0xffff, v0;
	_ =	sdelay $0xb  }
0x57: {  	v1 =	vld.idx.msk [tilespmem:v0+s8+$0x0], $0xffff;
	_ =	sdelay $0x1  }
0x58: {  	_, v2, vm7 =	vpop (xrf1);
	_ =	sdelay $0x2  }
0x59: {  	v1 =	vadd.s32 v1, v2  }
0x5a: {  	v2 =	vadd.s32 $0xFFFFFFFF, v1  }
0x5b: {  	[tilespmem:$0x240] =	vst v2  }
0x5c: {  	[tilespmem:v0+s8+$0x0] =	vst.idx.msk vm7, v1  }
0x5d: {  	v0 =	vld [tilespmem:$0x50];
	_ =	sdelay $0x4  }
0x5e: {  	(xrf1) =	vunique.msk.u32 $0xffff, v0;
	_ =	sdelay $0xb  }
0x5f: {  	v1 =	vld.idx.msk [tilespmem:v0+s8+$0x0], $0xffff;
	_ =	sdelay $0x1  }
0x60: {  	_, v2, vm8 =	vpop (xrf1);
	_ =	sdelay $0x2  }
0x61: {  	v1 =	vadd.s32 v1, v2  }
0x62: {  	v2 =	vadd.s32 $0xFFFFFFFF, v1  }
0x63: {  	[tilespmem:$0x250] =	vst v2  }
0x64: {  	[tilespmem:v0+s8+$0x0] =	vst.idx.msk vm8, v1  }
0x65: {  	v0 =	vld [tilespmem:$0x60];
	_ =	sdelay $0x4  }
0x66: {  	(xrf1) =	vunique.msk.u32 $0xffff, v0;
	_ =	sdelay $0xb  }
0x67: {  	v1 =	vld.idx.msk [tilespmem:v0+s8+$0x0], $0xffff;
	_ =	sdelay $0x1  }
0x68: {  	_, v2, vm9 =	vpop (xrf1);
	_ =	sdelay $0x2  }
0x69: {  	v1 =	vadd.s32 v1, v2  }
0x6a: {  	v2 =	vadd.s32 $0xFFFFFFFF, v1  }
0x6b: {  	[tilespmem:$0x260] =	vst v2  }
0x6c: {  	[tilespmem:v0+s8+$0x0] =	vst.idx.msk vm9, v1  }
0x6d: {  	v0 =	vld [tilespmem:$0x70];
	_ =	sdelay $0x4  }
0x6e: {  	(xrf1) =	vunique.msk.u32 $0xffff, v0;
	_ =	sdelay $0xb  }
0x6f: {  	v1 =	vld.idx.msk [tilespmem:v0+s8+$0x0], $0xffff;
	_ =	sdelay $0x1  }
0x70: {  	_, v2, vm10 =	vpop (xrf1);
	_ =	sdelay $0x2  }
0x71: {  	v1 =	vadd.s32 v1, v2  }
0x72: {  	v2 =	vadd.s32 $0xFFFFFFFF, v1  }
0x73: {  	[tilespmem:$0x270] =	vst v2  }
0x74: {  	[tilespmem:v0+s8+$0x0] =	vst.idx.msk vm10, v1  }
0x75: {  	v0 =	vld [tilespmem:$0x80];
	_ =	sdelay $0x4  }
0x76: {  	(xrf1) =	vunique.msk.u32 $0xffff, v0;
	_ =	sdelay $0xb  }
0x77: {  	v1 =	vld.idx.msk [tilespmem:v0+s8+$0x0], $0xffff;
	_ =	sdelay $0x1  }
0x78: {  	_, v2, vm11 =	vpop (xrf1);
	_ =	sdelay $0x2  }
0x79: {  	v1 =	vadd.s32 v1, v2  }
0x7a: {  	v2 =	vadd.s32 $0xFFFFFFFF, v1  }
0x7b: {  	[tilespmem:$0x280] =	vst v2  }
0x7c: {  	[tilespmem:v0+s8+$0x0] =	vst.idx.msk vm11, v1  }
0x7d: {  	v0 =	vld [tilespmem:$0x90];
	_ =	sdelay $0x4  }
0x7e: {  	(xrf1) =	vunique.msk.u32 $0xffff, v0;
	_ =	sdelay $0xb  }
0x7f: {  	v1 =	vld.idx.msk [tilespmem:v0+s8+$0x0], $0xffff;
	_ =	sdelay $0x1  }
0x80: {  	_, v2, vm12 =	vpop (xrf1);
	_ =	sdelay $0x2  }
0x81: {  	v1 =	vadd.s32 v1, v2  }
0x82: {  	v2 =	vadd.s32 $0xFFFFFFFF, v1  }
0x83: {  	[tilespmem:$0x290] =	vst v2  }
0x84: {  	[tilespmem:v0+s8+$0x0] =	vst.idx.msk vm12, v1  }
0x85: {  	v0 =	vld [tilespmem:$0xA0];
	_ =	sdelay $0x4  }
0x86: {  	(xrf1) =	vunique.msk.u32 $0xffff, v0;
	_ =	sdelay $0xb  }
0x87: {  	v1 =	vld.idx.msk [tilespmem:v0+s8+$0x0], $0xffff;
	_ =	sdelay $0x1  }
0x88: {  	_, v2, vm13 =	vpop (xrf1);
	_ =	sdelay $0x2  }
0x89: {  	v1 =	vadd.s32 v1, v2  }
0x8a: {  	v2 =	vadd.s32 $0xFFFFFFFF, v1  }
0x8b: {  	[tilespmem:$0x2A0] =	vst v2  }
0x8c: {  	[tilespmem:v0+s8+$0x0] =	vst.idx.msk vm13, v1  }
0x8d: {  	v0 =	vld [tilespmem:$0xB0];
	_ =	sdelay $0x4  }
0x8e: {  	(xrf1) =	vunique.msk.u32 $0xffff, v0;
	_ =	sdelay $0xb  }
0x8f: {  	v1 =	vld.idx.msk [tilespmem:v0+s8+$0x0], $0xffff;
	_ =	sdelay $0x1  }
0x90: {  	_, v2, vm14 =	vpop (xrf1);
	_ =	sdelay $0x2  }
0x91: {  	v1 =	vadd.s32 v1, v2  }
0x92: {  	v2 =	vadd.s32 $0xFFFFFFFF, v1  }
0x93: {  	[tilespmem:$0x2B0] =	vst v2  }
0x94: {  	[tilespmem:v0+s8+$0x0] =	vst.idx.msk vm14, v1  }
0x95: {  	v0 =	vld [tilespmem:$0xC0];
	_ =	sdelay $0x4  }
0x96: {  	(xrf1) =	vunique.msk.u32 $0xffff, v0;
	_ =	sdelay $0xb  }
0x97: {  	v1 =	vld.idx.msk [tilespmem:v0+s8+$0x0], $0xffff;
	_ =	sdelay $0x1  }
0x98: {  	_, v2, vm15 =	vpop (xrf1);
	_ =	sdelay $0x2  }
0x99: {  	s11 =	smul.u32 $0x240, s1;
	v1 =	vadd.s32 v1, v2  }
0x9a: {  	v2 =	vadd.s32 $0xFFFFFFFF, v1  }
0x9b: {  	s11 =	sshrl.u32 s11, $0x2;
	[tilespmem:$0x2C0] =	vst v2  }
0x9c: {  	s17 =	simm.s32 $0x3;
	s11 =	sadd.s32 s11, s7;
	[tilespmem:v0+s8+$0x0] =	vst.idx.msk vm15, v1  }
0x9d: {  	[spmem:s11] =	stream.linear.scatter [tilespmem:s8], [sflag:$0x3], $0x90, $0x200038;
	[tilespmem:$0xD98] =	vst v63  }
0x9e: {  	_ =	swait.ge [sflag:s17], $0x90  }
0x9f: {  	[sflag:s17] =	ssyncset.done $0x0  }
0xa0: {  	[sflag:s17] =	ssyncadd.s32 $0xFFFFFF70  }
0xa1: {  	_ =	strace $0x90000049  }
0xa2: {  	_ =	strace $0x8000004A  }
0xa3: {  	s18 =	simm.s32 $0x800;
	[bflag:$0x0] =	sbarrier.arrive $0xFFFF  }
0xa4: {  	[tilespmem:s18], [sflag:$0x3] =	stream.linear.gather [spmem:s7], $0x480, $0x200038;
	[tilespmem:$0xD98] =	vst v63  }
0xa5: {  	_ =	swait.ge [sflag:s17], $0x480  }
0xa6: {  	[sflag:s17] =	ssyncset.done $0x0  }
0xa7: {  	[sflag:s17] =	ssyncadd.s32 $0xFFFFFB80  }
0xa8: {  	_ =	strace $0x9000004A  }
0xa9: {  	s19 =	simm.s32 $0x840;
	_ =	strace $0x8000004B  }
0xaa: {  	v14 =	vld [tilespmem:s19+$0xFFFFFFC0]  }
0xab: {  	v27 =	vimm.s32 $0x0;
	v26 =	vimm.s32 $0x0;
	v29 =	vimm.s32 $0x0;
	v15 =	vld [tilespmem:s19+$0xFFFFFFD0]  }
0xac: {  	s20 =	simm.s32 $0x0;
	s21 =	sadd.s32 $0x10, s5;
	v28 =	vimm.s32 $0x0;
	v23 =	vimm.s32 $0x0;
	v45 =	vimm.s32 $0x0;
	v16 =	vld [tilespmem:s19+$0xFFFFFFE0]  }
0xad: {  	s12 =	sadd.s32 $0x20, s5;
	s22 =	sadd.s32 $0x30, s5;
	v44 =	vimm.s32 $0x0;
	v43 =	vimm.s32 $0x0;
	v0 =	vlaneseq.u32;
	s8 =	sand.u32 $0x3FFFFF80, s20;
	v17 =	vld [tilespmem:s19+$0xFFFFFFF0]  }
0xae: {  	s13 =	sadd.s32 $0x40, s5;
	s23 =	sadd.s32 $0x50, s5;
	v13 =	vor.u32 s5, v0;
	v12 =	vor.u32 s21, v0;
	v11 =	vor.u32 s12, v0;
	s8 =	sadd.s32 $0x880, s8;
	v19 =	vld [tilespmem:s19+$0x0]  }
0xaf: {  	s24 =	sadd.s32 $0x60, s5;
	s25 =	sadd.s32 $0x70, s5;
	s26 =	sadd.s32 $0x80, s5;
	v10 =	vor.u32 s22, v0;
	v9 =	vor.u32 s13, v0;
	v8 =	vor.u32 s23, v0;
	v18 =	vld [tilespmem:s8+$0x0]  }
0xb0: {  	s28 =	sadd.s32 $0x90, s5;
	s29 =	sadd.s32 $0xA0, s5;
	s30 =	sadd.s32 $0xB0, s5;
	v7 =	vor.u32 s24, v0;
	v5 =	vor.u32 s25, v0;
	v4 =	vor.u32 s26, v0;
	v33 =	vld [tilespmem:s19+$0x10]  }
0xb1: {  	s31 =	sadd.s32 $0xC0, s5;
	v3 =	vor.u32 s28, v0;
	v2 =	vor.u32 s29, v0;
	v1 =	vor.u32 s30, v0;
	v36 =	vld [tilespmem:s19+$0x20]  }
0xb2: {  	p1 =	sgt.u32 s1, $0x0;
	v0 =	vor.u32 s31, v0;
	s12 =	simm.s32 $0x1;
	v35 =	vadd.s32 v6, v14;
	v37 =	vadd.s32 v6, v15  }
0xb3: {  	s14 =	simm.s32 $0x8D0;
	s12 =	simm.s32 @!p1 $0x0;
	v21 =	vld [tilespmem:s19+$0x30];
	v34 =	vadd.s32 v6, v16;
	v32 =	vadd.s32 v6, v17;
	v30 =	vadd.s32 v6, v19  }
0xb4: {  	s15 =	simm.s32 $0x1;
	s16 =	simm.s32 $0x90;
	s11 =	simm.s32 $0x1;
	v31 =	vld [tilespmem:s14+$0xFFFFFFC0];
	v39 =	vmul.u32 s12, v14;
	v40 =	vmul.u32 s12, v15;
	v14 =	vmul.u32 s12, v18  }
0xb5: {  	s13 =	simm.s32 $0x890;
	s7 =	sadd.s32 s5, s2;
	s18 =	sand.u32 $0x3FFFFF80, s16;
	v25 =	vld [tilespmem:s14+$0xFFFFFFD0];
	v38 =	vmul.u32 s12, v16;
	v41 =	vmul.u32 s12, v17;
	v42 =	vmul.u32 s12, v19  }
0xb6: {  	s17 =	simm.s32 $0x2;
	s8 =	sadd.s32 s5, s3;
	s5 =	sadd.s32 s9, s6;
	v22 =	vld [tilespmem:s14+$0xFFFFFFE0];
	v20 =	vmul.u32 s12, v33;
	v19 =	vmul.u32 s12, v36;
	v17 =	vimm.s32 $0x0  }
0xb7: {  	s6 =	sadd.s32 s10, s6;
	s9 =	sadd.s32 $0xB6, s9;
	s10 =	sadd.s32 $0xB6, s10;
	v24 =	vld [tilespmem:s14+$0xFFFFFFF0];
	v16 =	vimm.s32 $0x0;
	v15 =	vimm.s32 $0x0;
	v14 =	vadd.s32 v6, v14  }
.LBB2_6:
0xb8: {  	p1 =	sne.s32 s17, $0x7;
	s18 =	sadd.s32 s18, s13;
	v46 =	vld [tilespmem:s14+$0x0];
	v6 =	vadd.s32 v6, v39;
	v27 =	vadd.s32 v27, v40;
	v39 =	vmul.u32 s12, v21;
	v40 =	vmovc v21  }
0xb9: {  	v26 =	vadd.s32 v26, v38;
	v29 =	vadd.s32 v29, v41;
	v28 =	vadd.s32 v28, v42;
	v47 =	vld [tilespmem:s18+$0x0];
	v38 =	vmovc v31  }
0xba: {  	v17 =	vadd.s32 v17, v20;
	v16 =	vadd.s32 v16, v19;
	v48 =	vld [tilespmem:s14+$0x10];
	v15 =	vadd.s32 v15, v39  }
0xbb: {  	v23 =	vadd.s32 v23, v18;
	p2 =	slt.u32 s15, s1;
	v35 =	vadd.s32 v35, v38;
	v37 =	vadd.s32 v37, v25;
	v49 =	vld [tilespmem:s14+$0x20]  }
.Ltmp4:
0xbc: {  	v45 =	vadd.s32 v45, v33;
	s12 =	simm.s32 $0x1;
	v34 =	vadd.s32 v34, v22;
	v32 =	vadd.s32 v32, v24;
	v21 =	vld [tilespmem:s14+$0x30];
	s14 =	sadd.s32 $0x90, s14;
	(pc) =	sbr.rel @p1 .LBB2_6-.Ltmp4, $4  }
0xbd: {  	v44 =	vadd.s32 v44, v36;
	s15 =	smov.u32 s17;
	s12 =	simm.s32 @!p2 $0x0;
	v43 =	vadd.s32 v43, v40;
	v31 =	vld [tilespmem:s14+$0xFFFFFFC0];
	v30 =	vadd.s32 v30, v46  }
0xbe: {  	v39 =	vmul.u32 s12, v38;
	v40 =	vmul.u32 s12, v25;
	v25 =	vld [tilespmem:s14+$0xFFFFFFD0];
	v50 =	vmul.u32 s12, v47;
	v18 =	vmovc v47  }
0xbf: {  	s16 =	sadd.s32 $0x90, s16;
	v38 =	vmul.u32 s12, v22;
	v41 =	vmul.u32 s12, v24;
	v42 =	vmul.u32 s12, v46;
	v22 =	vld [tilespmem:s14+$0xFFFFFFE0];
	v33 =	vmovc v48  }
0xc0: {  	s17 =	sadd.s32 $0x1, s17;
	s13 =	sadd.s32 $0x10, s13;
	s18 =	sand.u32 $0x3FFFFF80, s16;
	v24 =	vld [tilespmem:s14+$0xFFFFFFF0];
	v20 =	vmul.u32 s12, v33;
	v19 =	vmul.u32 s12, v49;
	v14 =	vadd.s32 v14, v50;
	v36 =	vmovc v49  }
0xc1: {  	_ = 	snop  }
0xc2: {  	v35 =	vadd.s32 v35, v31  }
0xc3: {  	v37 =	vadd.s32 v37, v25;
	(xrf0) =	vadd.scan.msk.s32 $0xffff, v35  }
0xc4: {  	v46 =	vld [tilespmem:s14+$0x0];
	(xrf0) =	vadd.scan.msk.s32 $0xffff, v37  }
0xc5: {  	v34 =	vadd.s32 v34, v22  }
0xc6: {  	v47 =	vld [tilespmem:s14+$0x10];
	(xrf0) =	vadd.scan.msk.s32 $0xffff, v34  }
0xc7: {  	v32 =	vadd.s32 v32, v24  }
0xc8: {  	v48 =	vld [tilespmem:s14+$0x20];
	(xrf0) =	vadd.scan.msk.s32 $0xffff, v32  }
0xc9: {  	v30 =	vadd.s32 v30, v46;
	v49, _, _ =	vpop (xrf0)  }
0xca: {  	v50 =	vld [tilespmem:s14+$0x30];
	v33 =	vadd.s32 v45, v33;
	(xrf0) =	vadd.scan.msk.s32 $0xffff, v30;
	(v2sf) =	vpush v49, $0xF;
	v59, _, _ =	vpop (xrf0)  }
0xcb: {  	v33 =	vadd.s32 v33, v47;
	(v2sf) =	vpush v59, $0xF  }
0xcc: {  	v36 =	vadd.s32 v44, v36;
	(xrf0) =	vadd.scan.msk.s32 $0xffff, v33;
	v60, _, _ =	vpop (xrf0)  }
0xcd: {  	v36 =	vadd.s32 v36, v48;
	(v2sf) =	vpush v60, $0xF  }
0xce: {  	v43 =	vadd.s32 v43, v21;
	(xrf0) =	vadd.scan.msk.s32 $0xffff, v36;
	v51, _, _ =	vpop (xrf0)  }
0xcf: {  	v43 =	vadd.s32 v43, v50;
	(v2sf) =	vpush v51, $0xF  }
0xd0: {  	v52, _, _ =	vpop (xrf0);
	(xrf0) =	vadd.scan.msk.s32 $0xffff, v43  }
0xd1: {  	(v2sf) =	vpush v52, $0xF  }
0xd2: {  	v53, _, _ =	vpop (xrf0)  }
0xd3: {  	(v2sf) =	vpush v53, $0xF  }
0xd4: {  	p1 =	slt.u32 s15, s1;
	v54, _, _ =	vpop (xrf0)  }
0xd5: {  	v6 =	vadd.s32 v6, v39;
	v27 =	vadd.s32 v27, v40;
	s11 =	simm.s32 @!p1 $0x0;
	(v2sf) =	vpush v54, $0xF  }
0xd6: {  	v26 =	vadd.s32 v26, v38;
	v29 =	vadd.s32 v29, v41;
	v61 =	vmul.u32 s11, v31;
	v38, _, _ =	vpop (xrf0)  }
0xd7: {  	v28 =	vadd.s32 v28, v42;
	v62 =	vmul.u32 s11, v25;
	(v2sf) =	vpush v38, $0xF  }
0xd8: {  	s13 =	sadd.s32 s18, s13;
	v6 =	vadd.s32 v6, v61;
	v35 =	vsub.s32 v49, v35;
	v63 =	vbroadcast v49, $0xF  }
0xd9: {  	v40 =	vmul.u32 s12, v21;
	v31 =	vld [tilespmem:s13+$0x0];
	[tilespmem:$0x700] =	vst v35;
	v6 =	vadd.s32 v35, v6;
	v37 =	vsub.s32 v59, v37;
	s15 =	spop (v2sf)  }
0xda: {  	v41 =	vmul.u32 s11, v22;
	v25 =	vadd.s32 v27, v62;
	[tilespmem:$0x600] =	vst v6;
	v42 =	vadd.s32 v63, v37;
	s16 =	spop (v2sf)  }
0xdb: {  	v18 =	vadd.s32 v23, v18;
	v45 =	vsub.s32 v60, v34;
	[tilespmem:$0x710] =	vst v42;
	v22 =	vadd.s32 v42, v25;
	s17 =	sadd.s32 s15, s16  }
0xdc: {  	v21 =	vadd.s32 v26, v41;
	v49 =	vmul.u32 s11, v24;
	[tilespmem:$0x610] =	vst v22;
	s18 =	spop (v2sf);
	v55 =	vadd.s32 s17, v45  }
0xdd: {  	v56 =	vmul.u32 s11, v46;
	v57 =	vsub.s32 v51, v32;
	s12 =	sadd.s32 s18, s17;
	[tilespmem:$0x720] =	vst v55;
	v21 =	vadd.s32 v55, v21  }
0xde: {  	v58 =	vmul.u32 s11, v47;
	v24 =	vadd.s32 v29, v49;
	s19 =	spop (v2sf);
	v59 =	vadd.s32 s12, v57;
	[tilespmem:$0x620] =	vst v21  }
0xdf: {  	v18 =	vadd.s32 v18, v31;
	v60 =	vsub.s32 v52, v30;
	s12 =	sadd.s32 s19, s12;
	[tilespmem:$0x730] =	vst v59;
	v21 =	vadd.s32 v59, v24  }
0xe0: {  	v23 =	vadd.s32 v28, v56;
	(xrf0) =	vadd.scan.msk.s32 $0xffff, v18;
	v61 =	vadd.s32 s12, v60;
	s20 =	spop (v2sf);
	[tilespmem:$0x630] =	vst v21  }
0xe1: {  	v17 =	vadd.s32 v17, v20;
	v63 =	vsub.s32 v53, v33;
	[tilespmem:$0x740] =	vst v61;
	v62 =	vadd.s32 v61, v23;
	s12 =	sadd.s32 s20, s12  }
0xe2: {  	v17 =	vadd.s32 v17, v58;
	v24 =	vmul.u32 s11, v48;
	s21 =	spop (v2sf);
	[tilespmem:$0x640] =	vst v62;
	v26 =	vadd.s32 s12, v63  }
0xe3: {  	v16 =	vadd.s32 v16, v19;
	v27 =	vsub.s32 v54, v36;
	s12 =	sadd.s32 s21, s12;
	[tilespmem:$0x750] =	vst v26;
	v17 =	vadd.s32 v26, v17  }
0xe4: {  	v28 =	vmul.u32 s11, v50;
	v16 =	vadd.s32 v16, v24;
	s22 =	spop (v2sf);
	v29 =	vadd.s32 s12, v27;
	[tilespmem:$0x650] =	vst v17  }
0xe5: {  	v6 =	vadd.s32 v15, v40;
	v32 =	vsub.s32 v38, v43;
	s12 =	sadd.s32 s22, s12;
	[tilespmem:$0x760] =	vst v29;
	v30 =	vadd.s32 v29, v16  }
0xe6: {  	v6 =	vadd.s32 v6, v28;
	v33 =	vmul.u32 s11, v31;
	v35, _, _ =	vpop (xrf0);
	v34 =	vadd.s32 s12, v32;
	[tilespmem:$0x660] =	vst v30;
	s23 =	spop (v2sf)  }
0xe7: {  	v36 =	vsub.s32 v35, v18;
	[tilespmem:$0x770] =	vst v34;
	v6 =	vadd.s32 v34, v6;
	s11 =	sadd.s32 s23, s12  }
0xe8: {  	v14 =	vadd.s32 v14, v33;
	[tilespmem:$0x670] =	vst v6;
	v37 =	vadd.s32 s11, v36  }
0xe9: {  	p1 =	sne.s32 s1, $0x0;
	[tilespmem:$0x780] =	vst v37;
	v6 =	vadd.s32 v37, v14  }
0xea: {  	s12 =	simm.s32 @!p1 $0x700;
	s11 =	simm.s32 @!p1 $0x0;
	[tilespmem:$0x680] =	vst v6  }
0xeb: {  	[hbm4b:s4+s11] =	stream.linear.scatter @!p1 [tilespmem:s12], [sflag:$0x3], $0x81, $0x200038;
	[tilespmem:$0xD98] =	vst v63  }
0xec: {  	s4 =	simm.s32 @!p1 $0x3  }
0xed: {  	_ =	swait.ge @!p1 [sflag:s4], $0x81  }
0xee: {  	[sflag:s4] =	ssyncset.done @!p1 $0x0  }
0xef: {  	[sflag:s4] =	ssyncadd.s32 @!p1 $0xFFFFFF7F  }
0xf0: {  	_ =	strace $0x9000004B  }
0xf1: {  	_ =	strace $0x8000004C  }
0xf2: {  	v38 =	vld [tilespmem:$0x0];
	_ =	sdelay $0x5  }
0xf3: {  	v39 =	vld [tilespmem:$0x200]  }
0xf4: {  	s24 =	simm.s32 $0x600;
	v40 =	vld [tilespmem:$0x10]  }
0xf5: {  	v6 =	vld.idx.msk [tilespmem:v38+s24+$0x0], $0xffff;
	_ =	sdelay $0x4  }
0xf6: {  	v41 =	vld [tilespmem:$0x210];
	[tilespmem:$0x400] =	vst v13;
	v6 =	vadd.s32 v6, v39  }
0xf7: {  	v42 =	vld [tilespmem:$0x20];
	[tilespmem:$0x300] =	vst v6  }
0xf8: {  	v6 =	vld.idx.msk [tilespmem:v40+s24+$0x0], $0xffff;
	_ =	sdelay $0x4  }
0xf9: {  	v43 =	vld [tilespmem:$0x220];
	[tilespmem:$0x410] =	vst v12;
	v6 =	vadd.s32 v6, v41  }
0xfa: {  	v44 =	vld [tilespmem:$0x30];
	[tilespmem:$0x310] =	vst v6  }
0xfb: {  	v6 =	vld.idx.msk [tilespmem:v42+s24+$0x0], $0xffff;
	_ =	sdelay $0x4  }
0xfc: {  	v45 =	vld [tilespmem:$0x230];
	[tilespmem:$0x420] =	vst v11;
	v6 =	vadd.s32 v6, v43  }
0xfd: {  	v46 =	vld [tilespmem:$0x40];
	[tilespmem:$0x320] =	vst v6  }
0xfe: {  	v6 =	vld.idx.msk [tilespmem:v44+s24+$0x0], $0xffff;
	_ =	sdelay $0x4  }
0xff: {  	v47 =	vld [tilespmem:$0x240];
	[tilespmem:$0x430] =	vst v10;
	v6 =	vadd.s32 v6, v45  }
0x100: {  	v48 =	vld [tilespmem:$0x50];
	[tilespmem:$0x330] =	vst v6  }
0x101: {  	v6 =	vld.idx.msk [tilespmem:v46+s24+$0x0], $0xffff;
	_ =	sdelay $0x4  }
0x102: {  	v49 =	vld [tilespmem:$0x250];
	[tilespmem:$0x440] =	vst v9;
	v6 =	vadd.s32 v6, v47  }
0x103: {  	v50 =	vld [tilespmem:$0x60];
	[tilespmem:$0x340] =	vst v6  }
0x104: {  	v6 =	vld.idx.msk [tilespmem:v48+s24+$0x0], $0xffff;
	_ =	sdelay $0x4  }
0x105: {  	v51 =	vld [tilespmem:$0x260];
	[tilespmem:$0x450] =	vst v8;
	v6 =	vadd.s32 v6, v49  }
0x106: {  	v52 =	vld [tilespmem:$0x70];
	[tilespmem:$0x350] =	vst v6  }
0x107: {  	v6 =	vld.idx.msk [tilespmem:v50+s24+$0x0], $0xffff;
	_ =	sdelay $0x4  }
0x108: {  	v53 =	vld [tilespmem:$0x270];
	[tilespmem:$0x460] =	vst v7;
	v6 =	vadd.s32 v6, v51  }
0x109: {  	v54 =	vld [tilespmem:$0x80];
	[tilespmem:$0x360] =	vst v6  }
0x10a: {  	v6 =	vld.idx.msk [tilespmem:v52+s24+$0x0], $0xffff;
	_ =	sdelay $0x4  }
0x10b: {  	v55 =	vld [tilespmem:$0x280];
	[tilespmem:$0x470] =	vst v5;
	v6 =	vadd.s32 v6, v53  }
0x10c: {  	v56 =	vld [tilespmem:$0x90];
	[tilespmem:$0x370] =	vst v6  }
0x10d: {  	v5 =	vld.idx.msk [tilespmem:v54+s24+$0x0], $0xffff;
	_ =	sdelay $0x4  }
0x10e: {  	v57 =	vld [tilespmem:$0x290];
	[tilespmem:$0x480] =	vst v4;
	v5 =	vadd.s32 v5, v55  }
0x10f: {  	v58 =	vld [tilespmem:$0xA0];
	[tilespmem:$0x380] =	vst v5  }
0x110: {  	v4 =	vld.idx.msk [tilespmem:v56+s24+$0x0], $0xffff;
	_ =	sdelay $0x4  }
0x111: {  	v59 =	vld [tilespmem:$0x2A0];
	[tilespmem:$0x490] =	vst v3;
	v4 =	vadd.s32 v4, v57  }
0x112: {  	v60 =	vld [tilespmem:$0xB0];
	[tilespmem:$0x390] =	vst v4  }
0x113: {  	v3 =	vld.idx.msk [tilespmem:v58+s24+$0x0], $0xffff;
	_ =	sdelay $0x4  }
0x114: {  	v61 =	vld [tilespmem:$0x2B0];
	[tilespmem:$0x4A0] =	vst v2;
	v3 =	vadd.s32 v3, v59  }
0x115: {  	v62 =	vld [tilespmem:$0xC0];
	[tilespmem:$0x3A0] =	vst v3  }
0x116: {  	v2 =	vld.idx.msk [tilespmem:v60+s24+$0x0], $0xffff;
	_ =	sdelay $0x4  }
0x117: {  	[tilespmem:$0x4B0] =	vst v1;
	v2 =	vadd.s32 v2, v61  }
0x118: {  	v63 =	vld [tilespmem:$0x2C0];
	[tilespmem:$0x3B0] =	vst v2  }
0x119: {  	v1 =	vld.idx.msk [tilespmem:v62+s24+$0x0], $0xffff;
	_ =	sdelay $0x4  }
0x11a: {  	[tilespmem:$0x4C0] =	vst v0;
	v1 =	vadd.s32 v1, v63  }
0x11b: {  	s25 =	simm.s32 $0xD0;
	s26 =	simm.s32 $0x300;
	s28 =	simm.s32 $0x100;
	[tilespmem:$0x3C0] =	vst v1  }
0x11c: {  	[spmem:s3] =	stream.indirect.scatter [tilespmem:s28], [sflag:$0x1], $0x1, s26, s25, $0x2000b8;
	[tilespmem:$0xD98] =	vst v63  }
0x11d: {  	s29 =	simm.s32 $0x400;
	s30 =	simm.s32 $0x1  }
0x11e: {  	[spmem:s2] =	stream.indirect.scatter [tilespmem:s29], [sflag:$0x2], $0x1, s26, s25, $0x2000b8;
	[tilespmem:$0xD98] =	vst v63  }
0x11f: {  	_ =	swait.ge [sflag:s30], $0xD0  }
0x120: {  	[sflag:s30] =	ssyncset.done $0x0  }
0x121: {  	s31 =	simm.s32 $0x2;
	[sflag:s30] =	ssyncadd.s32 $0xFFFFFF30  }
0x122: {  	_ =	swait.ge [sflag:s31], $0xD0  }
0x123: {  	[sflag:s31] =	ssyncset.done $0x0  }
0x124: {  	[sflag:s31] =	ssyncadd.s32 $0xFFFFFF30  }
0x125: {  	s2 =	simm.s32 @p0 $0x100;
	[bflag:$0x0] =	sbarrier.arrive $0xFFFF  }
0x126: {  	[tilespmem:s2], [sflag:$0x1] =	stream.linear.gather @p0 [spmem:s8], $0xB6, $0x200038;
	[tilespmem:$0xD98] =	vst v63  }
0x127: {  	s4 =	simm.s32 @p0 $0x1;
	s3 =	simm.s32 @p0 $0x400  }
0x128: {  	[tilespmem:s3], [sflag:$0x2] =	stream.linear.gather @p0 [spmem:s7], $0xB6, $0x200038;
	[tilespmem:$0xD98] =	vst v63  }
0x129: {  	_ =	swait.ge @p0 [sflag:s4], $0xB6  }
0x12a: {  	[sflag:s4] =	ssyncset.done @p0 $0x0  }
0x12b: {  	s11 =	simm.s32 @p0 $0x2;
	[sflag:s4] =	ssyncadd.s32 @p0 $0xFFFFFF4A  }
0x12c: {  	_ =	swait.ge @p0 [sflag:s11], $0xB6  }
0x12d: {  	[sflag:s11] =	ssyncset.done @p0 $0x0  }
0x12e: {  	s12 =	simm.s32 @p0 $0x0;
	[sflag:s11] =	ssyncadd.s32 @p0 $0xFFFFFF4A  }
0x12f: {  	[hbm4b:s9+s12] =	stream.linear.scatter @p0 [tilespmem:s2], [sflag:$0x1], $0xB6, $0x200038;
	[tilespmem:$0xD98] =	vst v63  }
0x130: {  	_ = 	snop  }
0x131: {  	[hbm4b:s10+s12] =	stream.linear.scatter @p0 [tilespmem:s3], [sflag:$0x2], $0xB6, $0x200038;
	[tilespmem:$0xD98] =	vst v63  }
0x132: {  	_ =	swait.ge @p0 [sflag:s4], $0xB6  }
0x133: {  	[sflag:s4] =	ssyncset.done @p0 $0x0  }
0x134: {  	[sflag:s4] =	ssyncadd.s32 @p0 $0xFFFFFF4A  }
0x135: {  	_ =	swait.ge @p0 [sflag:s11], $0xB6  }
0x136: {  	[sflag:s11] =	ssyncset.done @p0 $0x0  }
0x137: {  	s2 =	simm.s32 @!p0 $0x100;
	[sflag:s11] =	ssyncadd.s32 @p0 $0xFFFFFF4A  }
0x138: {  	[tilespmem:s2], [sflag:$0x1] =	stream.linear.gather @!p0 [spmem:s8], $0xD0, $0x200038;
	[tilespmem:$0xD98] =	vst v63  }
0x139: {  	s3 =	simm.s32 @!p0 $0x400;
	s4 =	simm.s32 @!p0 $0x1  }
0x13a: {  	[tilespmem:s3], [sflag:$0x2] =	stream.linear.gather @!p0 [spmem:s7], $0xD0, $0x200038;
	[tilespmem:$0xD98] =	vst v63  }
0x13b: {  	_ =	swait.ge @!p0 [sflag:s4], $0xD0  }
0x13c: {  	[sflag:s4] =	ssyncset.done @!p0 $0x0  }
0x13d: {  	s7 =	simm.s32 @!p0 $0x2;
	[sflag:s4] =	ssyncadd.s32 @!p0 $0xFFFFFF30  }
0x13e: {  	_ =	swait.ge @!p0 [sflag:s7], $0xD0  }
0x13f: {  	[sflag:s7] =	ssyncset.done @!p0 $0x0  }
0x140: {  	s8 =	simm.s32 @!p0 $0x0;
	[sflag:s7] =	ssyncadd.s32 @!p0 $0xFFFFFF30  }
0x141: {  	[hbm4b:s5+s8] =	stream.linear.scatter @!p0 [tilespmem:s2], [sflag:$0x1], $0xD0, $0x200038;
	[tilespmem:$0xD98] =	vst v63  }
0x142: {  	_ = 	snop  }
0x143: {  	[hbm4b:s6+s8] =	stream.linear.scatter @!p0 [tilespmem:s3], [sflag:$0x2], $0xD0, $0x200038;
	[tilespmem:$0xD98] =	vst v63  }
0x144: {  	_ =	swait.ge @!p0 [sflag:s4], $0xD0  }
.Ltmp5:
0x145: {  	[sflag:s4] =	ssyncset.done @!p0 $0x0;
	(pc) =	sbr.rel .LBB2_8-.Ltmp5, $4  }
0x146: {  	[sflag:s4] =	ssyncadd.s32 @!p0 $0xFFFFFF30  }
0x147: {  	_ =	swait.ge @!p0 [sflag:s7], $0xD0  }
0x148: {  	[sflag:s7] =	ssyncset.done @!p0 $0x0  }
0x149: {  	[sflag:s7] =	ssyncadd.s32 @!p0 $0xFFFFFF30  }
.LBB2_10:
0x14a: {  	_ =	strace $0x90000048  }
0x14b: {  	_ =	strace $0x80000049  }
0x14c: {  	_ =	strace $0x90000049  }
0x14d: {  	_ =	strace $0x8000004A  }
0x14e: {  	[bflag:$0x0] =	sbarrier.arrive $0xFFFF  }
0x14f: {  	_ =	strace $0x9000004A  }
0x150: {  	_ =	strace $0x8000004B  }
0x151: {  	_ =	strace $0x9000004B  }
0x152: {  	_ =	strace $0x8000004C  }
0x153: {  	[bflag:$0x0] =	sbarrier.arrive $0xFFFF  }
.LBB2_8:
0x154: {  	_ =	strace $0x9000004C  }
.LBB2_9:
0x155: {  	_ =	sfence.sel $0x180000  }
0x156: {  	[bflag:$0x0] =	sbarrier.arrive $0xFFFF  }
0x157: {  	p0 =	sne.s32 s1, $0x0;
	_ =	strace $0x90000047  }
0x158: {  	s0 =	sadd.s32 @!p0 $0x100000, s0;
	[bflag:$0x2] =	sbarrier.arrive $0xFFFF  }
0x159: {  	[sflag:s0] =	ssyncadd.tile.s32 @!p0 $0x1;
	_ =	shalt  }
.Lfunc_end2:
_tile_overlayer_lowered:
.L_overlay_start_2:
0x15a: {  	(tag) =	ssettag $0x2  }
0x15b: {  	s0 =	rddreg [dreg:$0x0];
	s2 =	stileid.u32  }
0x15c: {  	s1 =	rddreg [dreg:$0x1];
	p0 =	sne.s32 s2, $0x0  }
0x15d: {  	s3 =	rddreg [dreg:$0x2];
	[bflag:$0x3] =	sbarrier.arrive $0xFFFF;
	s2 =	simm.s32 @!p0 $0x1C03  }
0x15e: {  	[timem:s3], [sflag:s2] =	dma.local @!p0 [hbm:s0], s1  }
0x15f: {  	s0 =	simm.s32 @!p0 $0x3  }
0x160: {  	_ =	swait.ge @!p0 [sflag:s0], s1  }
0x161: {  	s1 =	ssub.s32 @!p0 $0x0, s1;
	[sflag:s0] =	ssyncset.done @!p0 $0x0  }
0x162: {  	[sflag:s0] =	ssyncadd.s32 @!p0 s1  }
0x163: {  	[bflag:$0x3] =	sbarrier.arrive $0xFFFF  }
0x164: {  	_ =	shalt  }

</sc_bundles>
